<compile_context>
chip_gen: v7x
topology: tpu7x:2x2x1
jax: 0.10.2.dev20260603
libtpu: 0.0.44.dev20260713+nightly
codegen_flags: <defaults>
</compile_context>

<pallas_src>
import functools

import jax
import jax.numpy as jnp
from jax import lax
from jax.experimental import pallas as pl
from jax.experimental.pallas import tpu as pltpu
from jax.experimental.pallas import tpu_sc as plsc

_TEMP = 1.0
_LBW = 0.01
_BT = 256
_NC, _NS, _L = 2, 16, 16
_WREP = 128
_NW = _NC * _NS


def _router_meta_body(nb, x_ref, rw_ref, pos_ref, w_ref, be_ref, act_ref,
                      chg_ref, slot_ref, xi_ref, yi_ref, aux_ref):
    t, _ = x_ref.shape
    e = rw_ref.shape[0]
    x = x_ref[...]
    rw = rw_ref[...]
    logits = lax.dot_general(x, rw, (((1,), (1,)), ((), ())),
                             preferred_element_type=jnp.float32)
    logits = logits / _TEMP
    m = jnp.max(logits, axis=-1, keepdims=True)
    ex = jnp.exp(logits - m)
    probs = ex / jnp.sum(ex, axis=-1, keepdims=True)
    pmax = jnp.max(probs, axis=-1, keepdims=True)
    eids = lax.broadcasted_iota(jnp.int32, probs.shape, 1)
    idx = jnp.min(jnp.where(probs == pmax, eids, e), axis=-1, keepdims=True)
    oh = (eids == idx).astype(jnp.float32)

    c = oh
    k = 1
    while k < t:
        c = c + jnp.concatenate(
            [jnp.zeros((k, e), jnp.float32), c[:t - k]], axis=0)
        k *= 2
    counts = c[t - 1:t, :]
    rank = jnp.sum(c * oh, axis=-1, keepdims=True) - 1.0

    ac = jnp.ceil(counts / _BT) * _BT
    co = ac
    k = 1
    while k < e:
        co = co + jnp.concatenate(
            [jnp.zeros((1, k), jnp.float32), co[:, :e - k]], axis=1)
        k *= 2
    offs_incl = co
    offs_excl = offs_incl - ac

    pos = jnp.sum(oh * offs_excl, axis=-1, keepdims=True) + rank
    pos_ref[...] = pos.astype(jnp.int32)
    w_ref[...] = jnp.broadcast_to(pmax, (t, _WREP))

    total = offs_incl[:, e - 1:e]
    sb = lax.broadcasted_iota(jnp.int32, (nb, e), 0).astype(jnp.float32) * _BT
    be_raw = jnp.sum((sb >= offs_incl).astype(jnp.int32), axis=-1,
                     keepdims=True)
    be_last = jnp.sum(((total - _BT) >= offs_incl).astype(jnp.int32), axis=-1,
                      keepdims=True)
    bec = jnp.minimum(be_raw, be_last)
    be_ref[...] = bec
    act_ref[...] = (sb[:, :1] < total).astype(jnp.int32)

    prev = jnp.concatenate(
        [jnp.full((1, 1), -1, jnp.int32), bec[:nb - 1]], axis=0)
    chg = (bec != prev).astype(jnp.float32)
    trf = chg
    k = 1
    while k < nb:
        trf = trf + jnp.concatenate(
            [jnp.zeros((k, 1), jnp.float32), trf[:nb - k]], axis=0)
        k *= 2
    slot = trf - 3.0 * jnp.floor(trf / 3.0)
    chg_ref[...] = chg.astype(jnp.int32)
    slot_ref[...] = slot.astype(jnp.int32)

    la = (total / _BT).astype(jnp.int32) - 1
    bidx = lax.broadcasted_iota(jnp.int32, (nb, 1), 0)
    xi_ref[...] = jnp.minimum(bidx, la)
    yi_ref[...] = jnp.where(bidx <= la, bidx, nb)

    mean_probs = jnp.mean(probs, axis=0, keepdims=True)
    freq = counts / float(t)
    aux_ref[...] = _LBW * float(e) * jnp.sum(mean_probs * freq,
                                             axis=-1, keepdims=True)


def _router_meta(x_flat, router_w, nb):
    t = x_flat.shape[0]
    return pl.pallas_call(
        functools.partial(_router_meta_body, nb),
        out_shape=[
            jax.ShapeDtypeStruct((t, 1), jnp.int32),
            jax.ShapeDtypeStruct((t, _WREP), jnp.float32),
            jax.ShapeDtypeStruct((nb, 1), jnp.int32),
            jax.ShapeDtypeStruct((nb, 1), jnp.int32),
            jax.ShapeDtypeStruct((nb, 1), jnp.int32),
            jax.ShapeDtypeStruct((nb, 1), jnp.int32),
            jax.ShapeDtypeStruct((nb, 1), jnp.int32),
            jax.ShapeDtypeStruct((nb, 1), jnp.int32),
            jax.ShapeDtypeStruct((1, 1), jnp.float32),
        ],
    )(x_flat, router_w)


def _dispatch_sc(x_flat, pos, w_rep, p):
    t, hid = x_flat.shape
    tok_per = t // _NW
    mesh = plsc.VectorSubcoreMesh(core_axis_name="c", subcore_axis_name="s")

    @functools.partial(
        pl.kernel,
        mesh=mesh,
        compiler_params=pltpu.CompilerParams(needs_layout_passes=False),
        out_type=[
            jax.ShapeDtypeStruct((p, hid), jnp.float32),
            jax.ShapeDtypeStruct((p, _WREP), jnp.float32),
        ],
        scratch_types=[
            pltpu.VMEM((tok_per,), jnp.int32),
            pltpu.VMEM((tok_per, hid), jnp.float32),
            pltpu.VMEM((tok_per, _WREP), jnp.float32),
            pltpu.SemaphoreType.DMA,
            pltpu.SemaphoreType.DMA,
            pltpu.SemaphoreType.DMA,
        ],
    )
    def dispatch(x_hbm, pos_hbm, wrep_hbm, xbuf_hbm, wbuf_hbm,
                 idx_v, rows_v, wrep_v, sem_x, sem_w, sem_p):
        wid = lax.axis_index("s") * _NC + lax.axis_index("c")
        base = wid * tok_per
        cp = pltpu.async_copy(pos_hbm.at[pl.ds(base, tok_per)], idx_v, sem_p)
        cr = pltpu.async_copy(x_hbm.at[pl.ds(base, tok_per)], rows_v, sem_x)
        cv = pltpu.async_copy(wrep_hbm.at[pl.ds(base, tok_per)], wrep_v, sem_w)
        cp.wait()
        cr.wait()
        cx = pltpu.async_copy(rows_v, xbuf_hbm.at[idx_v], sem_x)
        cv.wait()
        cw = pltpu.async_copy(wrep_v, wbuf_hbm.at[idx_v], sem_w)
        cx.wait()
        cw.wait()

    return dispatch(x_flat, pos, w_rep)


def _ffn_body(nb, be_sm, act_sm, chg_sm, slot_sm, xi_sm, yi_sm, x_ref, w1_hbm,
              b1_ref, w2_hbm, b2_ref, wtok_ref, y_ref, w1_scr, w2_scr,
              w1b_scr, w2b_scr, sem1, sem2):
    b = pl.program_id(0)

    def w_copy(bb):
        s = slot_sm[bb, 0]
        eidx = be_sm[bb, 0]
        c1 = pltpu.make_async_copy(w1_hbm.at[eidx], w1_scr.at[s], sem1.at[s])
        c2 = pltpu.make_async_copy(w2_hbm.at[eidx], w2_scr.at[s], sem2.at[s])
        return c1, c2

    def issue(bb):
        @pl.when(chg_sm[bb, 0] == 1)
        def _():
            c1, c2 = w_copy(bb)
            c1.start()
            c2.start()

    @pl.when(b == 0)
    def _():
        issue(0)
        issue(1)
        issue(2)

    @pl.when((b > 0) & (b + 2 < nb))
    def _():
        issue(b + 2)

    @pl.when(chg_sm[b, 0] == 1)
    def _():
        c1, c2 = w_copy(b)
        c1.wait()
        c2.wait()
        s = slot_sm[b, 0]
        w1b_scr[pl.ds(s, 1)] = w1_scr[pl.ds(s, 1)].astype(jnp.bfloat16)
        w2b_scr[pl.ds(s, 1)] = w2_scr[pl.ds(s, 1)].astype(jnp.bfloat16)

    @pl.when(act_sm[b, 0] == 1)
    def _():
        s = slot_sm[b, 0]
        w1 = w1b_scr[pl.ds(s, 1)][0]
        w2 = w2b_scr[pl.ds(s, 1)][0]
        x = x_ref[...].astype(jnp.bfloat16)
        h = lax.dot_general(x, w1, (((1,), (1,)), ((), ())),
                            preferred_element_type=jnp.float32)
        h = h + b1_ref[0]
        h = 0.5 * h * (1.0 + lax.erf(h * (2.0 ** -0.5)))
        y = lax.dot_general(h.astype(jnp.bfloat16), w2,
                            (((1,), (1,)), ((), ())),
                            preferred_element_type=jnp.float32)
        y = y + b2_ref[0]
        y_ref[...] = y * wtok_ref[:, :1]


def _ffn_tc(x_buf, w_buf, fc1_w, fc1_b, fc2_w, fc2_b, be, act, chg, slot,
            xi, yi):
    p, hid = x_buf.shape
    e, ffn, _ = fc1_w.shape
    nb = p // _BT
    grid_spec = pltpu.PrefetchScalarGridSpec(
        num_scalar_prefetch=6,
        grid=(nb,),
        in_specs=[
            pl.BlockSpec((_BT, hid),
                         lambda b, be, act, chg, slot, xi, yi: (xi[b, 0], 0)),
            pl.BlockSpec(memory_space=pl.ANY),
            pl.BlockSpec((1, 1, ffn),
                         lambda b, be, *_: (be[b, 0], 0, 0)),
            pl.BlockSpec(memory_space=pl.ANY),
            pl.BlockSpec((1, 1, hid),
                         lambda b, be, *_: (be[b, 0], 0, 0)),
            pl.BlockSpec((_BT, _WREP),
                         lambda b, be, act, chg, slot, xi, yi: (xi[b, 0], 0)),
        ],
        out_specs=pl.BlockSpec(
            (_BT, hid), lambda b, be, act, chg, slot, xi, yi: (yi[b, 0], 0)),
        scratch_shapes=[
            pltpu.VMEM((3, ffn, hid), jnp.float32),
            pltpu.VMEM((3, hid, ffn), jnp.float32),
            pltpu.VMEM((3, ffn, hid), jnp.bfloat16),
            pltpu.VMEM((3, hid, ffn), jnp.bfloat16),
            pltpu.SemaphoreType.DMA((3,)),
            pltpu.SemaphoreType.DMA((3,)),
        ],
    )
    return pl.pallas_call(
        functools.partial(_ffn_body, nb),
        grid_spec=grid_spec,
        out_shape=jax.ShapeDtypeStruct((p + _BT, hid), jnp.float32),
    )(be, act, chg, slot, xi, yi, x_buf, fc1_w, fc1_b.reshape(e, 1, ffn),
      fc2_w, fc2_b.reshape(e, 1, hid), w_buf)


def _combine_sc(y_buf, pos, t):
    p, hid = y_buf.shape
    tok_per = t // _NW
    mesh = plsc.VectorSubcoreMesh(core_axis_name="c", subcore_axis_name="s")

    @functools.partial(
        pl.kernel,
        mesh=mesh,
        compiler_params=pltpu.CompilerParams(needs_layout_passes=False),
        out_type=jax.ShapeDtypeStruct((t, hid), jnp.float32),
        scratch_types=[
            pltpu.VMEM((tok_per,), jnp.int32),
            pltpu.VMEM((tok_per, hid), jnp.float32),
            pltpu.SemaphoreType.DMA,
        ],
    )
    def combine(ybuf_hbm, pos_hbm, out_hbm, idx_v, rows_v, sem):
        wid = lax.axis_index("s") * _NC + lax.axis_index("c")
        base = wid * tok_per
        pltpu.sync_copy(pos_hbm.at[pl.ds(base, tok_per)], idx_v)
        pltpu.async_copy(ybuf_hbm.at[idx_v], rows_v, sem).wait()
        pltpu.sync_copy(rows_v, out_hbm.at[pl.ds(base, tok_per)])

    return combine(y_buf, pos)


def kernel(x, router_w, fc1_w, fc1_b, fc2_w, fc2_b):
    b, s, d = x.shape
    t = b * s
    e = router_w.shape[0]
    p = t + e * _BT
    nb = p // _BT

    x_flat = x.reshape(t, d)
    (pos2d, w2d, be2d, act2d, chg2d, slot2d, xi2d, yi2d,
     aux2d) = _router_meta(x_flat, router_w, nb)
    pos = pos2d.reshape(t)
    x_buf, w_buf = _dispatch_sc(x_flat, pos, w2d, p)
    y_buf = _ffn_tc(x_buf, w_buf, fc1_w, fc1_b, fc2_w, fc2_b, be2d, act2d,
                    chg2d, slot2d, xi2d, yi2d)
    out_flat = _combine_sc(y_buf, pos, t)
    return out_flat.reshape(b, s, d), aux2d[0, 0]

# --- scband reference (transcript-rebuilt; emitter-appended) ---
"""Pipeline reference for scband-mo-elayer-44702019617359 (READ-ONLY COPY).

The authoritative reference and input builder live on the scoring server;
editing this copy changes nothing except your own understanding.
"""

import jax, jax.numpy as jnp
import numpy as np

E = 16
HID = 768
FFN = 1024
TOPK = 1
TEMP = 1.0
LBW = 0.01
B, S = 1, 2048


def setup_inputs(seed: int = 0) -> dict:
    key = jax.random.key(seed)
    ks = jax.random.split(key, 6)
    x = jax.random.normal(ks[0], (B, S, HID), dtype=jnp.float32)
    router_w = jax.random.normal(ks[1], (E, HID), dtype=jnp.float32) * (1.0 / np.sqrt(HID))
    fc1_w = jax.random.normal(ks[2], (E, FFN, HID), dtype=jnp.float32) * (1.0 / np.sqrt(HID))
    fc1_b = jnp.zeros((E, FFN), dtype=jnp.float32)
    fc2_w = jax.random.normal(ks[3], (E, HID, FFN), dtype=jnp.float32) * (1.0 / np.sqrt(FFN))
    fc2_b = jnp.zeros((E, HID), dtype=jnp.float32)
    return {"x": x, "router_w": router_w, "fc1_w": fc1_w, "fc1_b": fc1_b, "fc2_w": fc2_w, "fc2_b": fc2_b}


def reference(x, router_w, fc1_w, fc1_b, fc2_w, fc2_b):
    b, s, d = x.shape
    x_flat = x.reshape(-1, d)
    num_tokens = x_flat.shape[0]
    # router (no bias), temperature scaling, softmax
    router_logits = x_flat @ router_w.T
    router_logits = router_logits / TEMP
    router_probs = jax.nn.softmax(router_logits, axis=-1)
    # top_k == 1 path: max prob + argmax index (weights NOT renormalized)
    expert_weights = jnp.max(router_probs, axis=-1, keepdims=True)  # [T,1]
    expert_indices = jnp.argmax(router_probs, axis=-1)[:, None]     # [T,1]
    # dense-equivalent expert compute: every expert applied, masked by routing weight
    # (tokens not routed to an expert get weight 0, so math matches the torch loop)
    h = jnp.einsum('td,efd->tef', x_flat, fc1_w) + fc1_b[None, :, :]  # [T,E,FFN]
    h = jax.nn.gelu(h, approximate=False)
    y = jnp.einsum('tef,edf->ted', h, fc2_w) + fc2_b[None, :, :]      # [T,E,HID]
    wmat = jax.nn.one_hot(expert_indices[:, 0], E, dtype=x_flat.dtype) * expert_weights  # [T,E]
    output_flat = jnp.einsum('te,ted->td', wmat, y)
    output = output_flat.reshape(b, s, d)
    # load balance aux loss
    mean_router_probs = router_probs.mean(axis=0)
    counts = jnp.bincount(expert_indices.reshape(-1), minlength=E, length=E).astype(jnp.float32)
    expert_frequencies = counts / (num_tokens * TOPK)
    aux_loss = LBW * (E * jnp.sum(mean_router_probs * expert_frequencies))
    return output, aux_loss

if __name__ == "__main__":
    import jax
    _d = setup_inputs()
    print(jax.jit(kernel)(*tuple(_d.values())))

</pallas_src>

<mosaic_0001>
#map = affine_map<(d0, d1) -> (0, 0)>
#map1 = affine_map<(d0, d1) -> (0)>
module attributes {stable_mosaic.version = 14 : i64} {
  func.func @combine(%arg0: i32, %arg1: i32, %arg2: memref<6400x768xf32, #tpu.memory_space<hbm>>, %arg3: memref<2048xi32, #tpu.memory_space<hbm>>, %arg4: memref<2048x768xf32, #tpu.memory_space<hbm>>, %arg5: memref<64xi32, #tpu.memory_space<vmem>>, %arg6: memref<64x768xf32, #tpu.memory_space<vmem>>, %arg7: memref<!tpu.dma_semaphore, #tpu.memory_space<semaphore_mem>>) attributes {dimension_semantics = [#tpu.dimension_semantics<core_parallel>, #tpu.dimension_semantics<subcore_parallel>], iteration_bounds = array<i64: 2, 16>, scalar_prefetch = 0 : i64, scratch_operands = 3 : i64, tpu.core_type = #tpu.core_type<sc_vector_subcore>, window_params = [{transform_indices = #map}, {transform_indices = #map1}, {transform_indices = #map}]} {
    %mul3A = arith.constant 2 : i32
    %mul3A_0 = arith.muli %arg1, %mul3A : i32
    %add3A = arith.addi %mul3A_0, %arg0 : i32
    %mul3A_1 = arith.constant 64 : i32
    %mul3A_2 = arith.muli %add3A, %mul3A_1 : i32
    "tpu.region"() ({
      %run_scoped3A = tpu.sem_alloc : memref<!tpu.dma_semaphore, #tpu.memory_space<semaphore_mem>>
      %dma_start3A_7 = tpu.memref_slice %arg3[%mul3A_2] : memref<2048xi32, #tpu.memory_space<hbm>> -> memref<64xi32, #tpu.memory_space<hbm>>
      %dma_start3A_8 = tpu.memref_slice %arg3[%mul3A_2] : memref<2048xi32, #tpu.memory_space<hbm>> -> memref<64xi32, #tpu.memory_space<hbm>>
      tpu.enqueue_dma source(%dma_start3A_8 : memref<64xi32, #tpu.memory_space<hbm>>) target(%arg5 : memref<64xi32, #tpu.memory_space<vmem>>) target_semaphore(%run_scoped3A : memref<!tpu.dma_semaphore, #tpu.memory_space<semaphore_mem>>)
      %dma_wait3A_9 = tpu.memref_slice %arg3[%mul3A_2] : memref<2048xi32, #tpu.memory_space<hbm>> -> memref<64xi32, #tpu.memory_space<hbm>>
      %dma_wait3A_10 = tpu.memref_slice %arg3[%mul3A_2] : memref<2048xi32, #tpu.memory_space<hbm>> -> memref<64xi32, #tpu.memory_space<hbm>>
      tpu.wait_dma2 semaphore(%run_scoped3A : memref<!tpu.dma_semaphore, #tpu.memory_space<semaphore_mem>>) src(%dma_wait3A_10 : memref<64xi32, #tpu.memory_space<hbm>>) dst(%arg5 : memref<64xi32, #tpu.memory_space<vmem>>)
      tpu.yield
    }) : () -> ()
    %dma_start3A = arith.constant 0 : i32
    %dma_start3A_3 = arith.constant 0 : i32
    %dma_start3A_4 = tpu.memref_slice %arg2[%dma_start3A, %dma_start3A_3] : memref<6400x768xf32, #tpu.memory_space<hbm>> -> memref<6400x768xf32, #tpu.memory_space<hbm>>
    tpu.enqueue_indirect_dma source(%dma_start3A_4 : memref<6400x768xf32, #tpu.memory_space<hbm>>) target(%arg6 : memref<64x768xf32, #tpu.memory_space<vmem>>) offsets(%arg5 : memref<64xi32, #tpu.memory_space<vmem>>) semaphore(%arg7 : memref<!tpu.dma_semaphore, #tpu.memory_space<semaphore_mem>>)
    %dma_wait3A = arith.constant 0 : i32
    %dma_wait3A_5 = arith.constant 0 : i32
    %dma_wait3A_6 = tpu.memref_slice %arg2[%dma_wait3A, %dma_wait3A_5] : memref<6400x768xf32, #tpu.memory_space<hbm>> -> memref<6400x768xf32, #tpu.memory_space<hbm>>
    tpu.wait_indirect_dma semaphore(%arg7 : memref<!tpu.dma_semaphore, #tpu.memory_space<semaphore_mem>>) src(%dma_wait3A_6 : memref<6400x768xf32, #tpu.memory_space<hbm>>) dst(%arg6 : memref<64x768xf32, #tpu.memory_space<vmem>>)
    "tpu.region"() ({
      %run_scoped3A = tpu.sem_alloc : memref<!tpu.dma_semaphore, #tpu.memory_space<semaphore_mem>>
      %dma_start3A_7 = arith.constant 0 : i32
      %dma_start3A_8 = tpu.memref_slice %arg4[%mul3A_2, %dma_start3A_7] : memref<2048x768xf32, #tpu.memory_space<hbm>> -> memref<64x768xf32, #tpu.memory_space<hbm>>
      %dma_start3A_9 = arith.constant 0 : i32
      %dma_start3A_10 = tpu.memref_slice %arg4[%mul3A_2, %dma_start3A_9] : memref<2048x768xf32, #tpu.memory_space<hbm>> -> memref<64x768xf32, #tpu.memory_space<hbm>>
      tpu.enqueue_dma source(%arg6 : memref<64x768xf32, #tpu.memory_space<vmem>>) target(%dma_start3A_10 : memref<64x768xf32, #tpu.memory_space<hbm>>) target_semaphore(%run_scoped3A : memref<!tpu.dma_semaphore, #tpu.memory_space<semaphore_mem>>)
      %dma_wait3A_11 = arith.constant 0 : i32
      %dma_wait3A_12 = tpu.memref_slice %arg4[%mul3A_2, %dma_wait3A_11] : memref<2048x768xf32, #tpu.memory_space<hbm>> -> memref<64x768xf32, #tpu.memory_space<hbm>>
      %dma_wait3A_13 = arith.constant 0 : i32
      %dma_wait3A_14 = tpu.memref_slice %arg4[%mul3A_2, %dma_wait3A_13] : memref<2048x768xf32, #tpu.memory_space<hbm>> -> memref<64x768xf32, #tpu.memory_space<hbm>>
      tpu.wait_dma2 semaphore(%run_scoped3A : memref<!tpu.dma_semaphore, #tpu.memory_space<semaphore_mem>>) src(%arg6 : memref<64x768xf32, #tpu.memory_space<vmem>>) dst(%dma_wait3A_14 : memref<64x768xf32, #tpu.memory_space<hbm>>)
      tpu.yield
    }) : () -> ()
    return
  }
}

#map = affine_map<(d0, d1) -> (0, 0)>
#map1 = affine_map<(d0, d1) -> (0)>
module attributes {stable_mosaic.version = 14 : i64} {
  func.func @dispatch(%arg0: i32, %arg1: i32, %arg2: memref<2048x768xf32, #tpu.memory_space<hbm>>, %arg3: memref<2048xi32, #tpu.memory_space<hbm>>, %arg4: memref<2048x128xf32, #tpu.memory_space<hbm>>, %arg5: memref<6144x768xf32, #tpu.memory_space<hbm>>, %arg6: memref<6144x128xf32, #tpu.memory_space<hbm>>, %arg7: memref<64xi32, #tpu.memory_space<vmem>>, %arg8: memref<64x768xf32, #tpu.memory_space<vmem>>, %arg9: memref<64x128xf32, #tpu.memory_space<vmem>>, %arg10: memref<!tpu.dma_semaphore, #tpu.memory_space<semaphore_mem>>, %arg11: memref<!tpu.dma_semaphore, #tpu.memory_space<semaphore_mem>>, %arg12: memref<!tpu.dma_semaphore, #tpu.memory_space<semaphore_mem>>) attributes {dimension_semantics = [#tpu.dimension_semantics<core_parallel>, #tpu.dimension_semantics<subcore_parallel>], iteration_bounds = array<i64: 2, 16>, scalar_prefetch = 0 : i64, scratch_operands = 6 : i64, tpu.core_type = #tpu.core_type<sc_vector_subcore>, window_params = [{transform_indices = #map}, {transform_indices = #map1}, {transform_indices = #map}, {transform_indices = #map}, {transform_indices = #map}]} {
    %mul3A = arith.constant 2 : i32
    %mul3A_0 = arith.muli %arg1, %mul3A : i32
    %add3A = arith.addi %mul3A_0, %arg0 : i32
    %mul3A_1 = arith.constant 64 : i32
    %mul3A_2 = arith.muli %add3A, %mul3A_1 : i32
    %dma_start3A = tpu.memref_slice %arg3[%mul3A_2] : memref<2048xi32, #tpu.memory_space<hbm>> -> memref<64xi32, #tpu.memory_space<hbm>>
    %dma_start3A_3 = tpu.memref_slice %arg3[%mul3A_2] : memref<2048xi32, #tpu.memory_space<hbm>> -> memref<64xi32, #tpu.memory_space<hbm>>
    tpu.enqueue_dma source(%dma_start3A_3 : memref<64xi32, #tpu.memory_space<hbm>>) target(%arg7 : memref<64xi32, #tpu.memory_space<vmem>>) target_semaphore(%arg12 : memref<!tpu.dma_semaphore, #tpu.memory_space<semaphore_mem>>)
    %dma_start3A_4 = arith.constant 0 : i32
    %dma_start3A_5 = tpu.memref_slice %arg2[%mul3A_2, %dma_start3A_4] : memref<2048x768xf32, #tpu.memory_space<hbm>> -> memref<64x768xf32, #tpu.memory_space<hbm>>
    %dma_start3A_6 = arith.constant 0 : i32
    %dma_start3A_7 = tpu.memref_slice %arg2[%mul3A_2, %dma_start3A_6] : memref<2048x768xf32, #tpu.memory_space<hbm>> -> memref<64x768xf32, #tpu.memory_space<hbm>>
    tpu.enqueue_dma source(%dma_start3A_7 : memref<64x768xf32, #tpu.memory_space<hbm>>) target(%arg8 : memref<64x768xf32, #tpu.memory_space<vmem>>) target_semaphore(%arg10 : memref<!tpu.dma_semaphore, #tpu.memory_space<semaphore_mem>>)
    %dma_start3A_8 = arith.constant 0 : i32
    %dma_start3A_9 = tpu.memref_slice %arg4[%mul3A_2, %dma_start3A_8] : memref<2048x128xf32, #tpu.memory_space<hbm>> -> memref<64x128xf32, #tpu.memory_space<hbm>>
    %dma_start3A_10 = arith.constant 0 : i32
    %dma_start3A_11 = tpu.memref_slice %arg4[%mul3A_2, %dma_start3A_10] : memref<2048x128xf32, #tpu.memory_space<hbm>> -> memref<64x128xf32, #tpu.memory_space<hbm>>
    tpu.enqueue_dma source(%dma_start3A_11 : memref<64x128xf32, #tpu.memory_space<hbm>>) target(%arg9 : memref<64x128xf32, #tpu.memory_space<vmem>>) target_semaphore(%arg11 : memref<!tpu.dma_semaphore, #tpu.memory_space<semaphore_mem>>)
    %dma_wait3A = tpu.memref_slice %arg3[%mul3A_2] : memref<2048xi32, #tpu.memory_space<hbm>> -> memref<64xi32, #tpu.memory_space<hbm>>
    %dma_wait3A_12 = tpu.memref_slice %arg3[%mul3A_2] : memref<2048xi32, #tpu.memory_space<hbm>> -> memref<64xi32, #tpu.memory_space<hbm>>
    tpu.wait_dma2 semaphore(%arg12 : memref<!tpu.dma_semaphore, #tpu.memory_space<semaphore_mem>>) src(%dma_wait3A_12 : memref<64xi32, #tpu.memory_space<hbm>>) dst(%arg7 : memref<64xi32, #tpu.memory_space<vmem>>)
    %dma_wait3A_13 = arith.constant 0 : i32
    %dma_wait3A_14 = tpu.memref_slice %arg2[%mul3A_2, %dma_wait3A_13] : memref<2048x768xf32, #tpu.memory_space<hbm>> -> memref<64x768xf32, #tpu.memory_space<hbm>>
    %dma_wait3A_15 = arith.constant 0 : i32
    %dma_wait3A_16 = tpu.memref_slice %arg2[%mul3A_2, %dma_wait3A_15] : memref<2048x768xf32, #tpu.memory_space<hbm>> -> memref<64x768xf32, #tpu.memory_space<hbm>>
    tpu.wait_dma2 semaphore(%arg10 : memref<!tpu.dma_semaphore, #tpu.memory_space<semaphore_mem>>) src(%dma_wait3A_16 : memref<64x768xf32, #tpu.memory_space<hbm>>) dst(%arg8 : memref<64x768xf32, #tpu.memory_space<vmem>>)
    %dma_start3A_17 = arith.constant 0 : i32
    %dma_start3A_18 = arith.constant 0 : i32
    %dma_start3A_19 = tpu.memref_slice %arg5[%dma_start3A_17, %dma_start3A_18] : memref<6144x768xf32, #tpu.memory_space<hbm>> -> memref<6144x768xf32, #tpu.memory_space<hbm>>
    tpu.enqueue_indirect_dma source(%arg8 : memref<64x768xf32, #tpu.memory_space<vmem>>) target(%dma_start3A_19 : memref<6144x768xf32, #tpu.memory_space<hbm>>) offsets(%arg7 : memref<64xi32, #tpu.memory_space<vmem>>) semaphore(%arg10 : memref<!tpu.dma_semaphore, #tpu.memory_space<semaphore_mem>>)
    %dma_wait3A_20 = arith.constant 0 : i32
    %dma_wait3A_21 = tpu.memref_slice %arg4[%mul3A_2, %dma_wait3A_20] : memref<2048x128xf32, #tpu.memory_space<hbm>> -> memref<64x128xf32, #tpu.memory_space<hbm>>
    %dma_wait3A_22 = arith.constant 0 : i32
    %dma_wait3A_23 = tpu.memref_slice %arg4[%mul3A_2, %dma_wait3A_22] : memref<2048x128xf32, #tpu.memory_space<hbm>> -> memref<64x128xf32, #tpu.memory_space<hbm>>
    tpu.wait_dma2 semaphore(%arg11 : memref<!tpu.dma_semaphore, #tpu.memory_space<semaphore_mem>>) src(%dma_wait3A_23 : memref<64x128xf32, #tpu.memory_space<hbm>>) dst(%arg9 : memref<64x128xf32, #tpu.memory_space<vmem>>)
    %dma_start3A_24 = arith.constant 0 : i32
    %dma_start3A_25 = arith.constant 0 : i32
    %dma_start3A_26 = tpu.memref_slice %arg6[%dma_start3A_24, %dma_start3A_25] : memref<6144x128xf32, #tpu.memory_space<hbm>> -> memref<6144x128xf32, #tpu.memory_space<hbm>>
    tpu.enqueue_indirect_dma source(%arg9 : memref<64x128xf32, #tpu.memory_space<vmem>>) target(%dma_start3A_26 : memref<6144x128xf32, #tpu.memory_space<hbm>>) offsets(%arg7 : memref<64xi32, #tpu.memory_space<vmem>>) semaphore(%arg11 : memref<!tpu.dma_semaphore, #tpu.memory_space<semaphore_mem>>)
    %dma_wait3A_27 = arith.constant 0 : i32
    %dma_wait3A_28 = arith.constant 0 : i32
    %dma_wait3A_29 = tpu.memref_slice %arg5[%dma_wait3A_27, %dma_wait3A_28] : memref<6144x768xf32, #tpu.memory_space<hbm>> -> memref<6144x768xf32, #tpu.memory_space<hbm>>
    tpu.wait_indirect_dma semaphore(%arg10 : memref<!tpu.dma_semaphore, #tpu.memory_space<semaphore_mem>>) src(%arg8 : memref<64x768xf32, #tpu.memory_space<vmem>>) dst(%dma_wait3A_29 : memref<6144x768xf32, #tpu.memory_space<hbm>>)
    %dma_wait3A_30 = arith.constant 0 : i32
    %dma_wait3A_31 = arith.constant 0 : i32
    %dma_wait3A_32 = tpu.memref_slice %arg6[%dma_wait3A_30, %dma_wait3A_31] : memref<6144x128xf32, #tpu.memory_space<hbm>> -> memref<6144x128xf32, #tpu.memory_space<hbm>>
    tpu.wait_indirect_dma semaphore(%arg11 : memref<!tpu.dma_semaphore, #tpu.memory_space<semaphore_mem>>) src(%arg9 : memref<64x128xf32, #tpu.memory_space<vmem>>) dst(%dma_wait3A_32 : memref<6144x128xf32, #tpu.memory_space<hbm>>)
    return
  }
}

module attributes {stable_mosaic.version = 14 : i64} {
  func.func @_ffn_body(%arg0: i32, %arg1: memref<24x1xi32, #tpu.memory_space<smem>>, %arg2: memref<24x1xi32, #tpu.memory_space<smem>>, %arg3: memref<24x1xi32, #tpu.memory_space<smem>>, %arg4: memref<24x1xi32, #tpu.memory_space<smem>>, %arg5: memref<24x1xi32, #tpu.memory_space<smem>>, %arg6: memref<24x1xi32, #tpu.memory_space<smem>>, %arg7: memref<256x768xf32, #tpu.memory_space<vmem>>, %arg8: memref<16x1024x768xf32, #tpu.memory_space<any>>, %arg9: memref<1x1x1024xf32, #tpu.memory_space<vmem>>, %arg10: memref<16x768x1024xf32, #tpu.memory_space<any>>, %arg11: memref<1x1x768xf32, #tpu.memory_space<vmem>>, %arg12: memref<256x128xf32, #tpu.memory_space<vmem>>, %arg13: memref<256x768xf32, #tpu.memory_space<vmem>>, %arg14: memref<3x1024x768xf32, #tpu.memory_space<vmem>>, %arg15: memref<3x768x1024xf32, #tpu.memory_space<vmem>>, %arg16: memref<3x1024x768xbf16, #tpu.memory_space<vmem>>, %arg17: memref<3x768x1024xbf16, #tpu.memory_space<vmem>>, %arg18: memref<3x!tpu.dma_semaphore, #tpu.memory_space<semaphore_mem>>, %arg19: memref<3x!tpu.dma_semaphore, #tpu.memory_space<semaphore_mem>>) attributes {dimension_semantics = [#tpu.dimension_semantics<arbitrary>], iteration_bounds = array<i64: 24>, scalar_prefetch = 6 : i64, scratch_operands = 6 : i64, tpu.core_type = #tpu.core_type<tc>, window_params = [{transform_indices = @transform_0, window_bounds = array<i64: 256, 768>}, {}, {transform_indices = @transform_2, window_bounds = array<i64: 1, 1, 1024>}, {}, {transform_indices = @transform_4, window_bounds = array<i64: 1, 1, 768>}, {transform_indices = @transform_5, window_bounds = array<i64: 256, 128>}, {transform_indices = @transform_6, window_bounds = array<i64: 256, 768>}]} {
    %eq3A = arith.constant 0 : i32
    %eq3A_0 = arith.cmpi eq, %arg0, %eq3A : i32
    %convert_element_type3A = arith.extui %eq3A_0 : i1 to i32
    %cond3A = arith.constant 0 : i32
    %cond3A_1 = arith.cmpi ne, %convert_element_type3A, %cond3A : i32
    scf.if %cond3A_1 {
      %get3A_23 = arith.constant 0 : index
      %get3A_24 = arith.constant 0 : index
      %get3A_25 = memref.load %arg3[%get3A_23, %get3A_24] : memref<24x1xi32, #tpu.memory_space<smem>>
      %eq3A_26 = arith.constant 1 : i32
      %eq3A_27 = arith.cmpi eq, %get3A_25, %eq3A_26 : i32
      %convert_element_type3A_28 = arith.extui %eq3A_27 : i1 to i32
      %cond3A_29 = arith.constant 0 : i32
      %cond3A_30 = arith.cmpi ne, %convert_element_type3A_28, %cond3A_29 : i32
      scf.if %cond3A_30 {
        %get3A_47 = arith.constant 0 : index
        %get3A_48 = arith.constant 0 : index
        %get3A_49 = memref.load %arg4[%get3A_47, %get3A_48] : memref<24x1xi32, #tpu.memory_space<smem>>
        %get3A_50 = arith.constant 0 : index
        %get3A_51 = arith.constant 0 : index
        %get3A_52 = memref.load %arg1[%get3A_50, %get3A_51] : memref<24x1xi32, #tpu.memory_space<smem>>
        %dma_start3A = tpu.memref_slice %arg18[%get3A_49] : memref<3x!tpu.dma_semaphore, #tpu.memory_space<semaphore_mem>> -> memref<1x!tpu.dma_semaphore, #tpu.memory_space<semaphore_mem>>
        %dma_start3A_53 = tpu.memref_squeeze %dma_start3A : memref<1x!tpu.dma_semaphore, #tpu.memory_space<semaphore_mem>> -> memref<!tpu.dma_semaphore, #tpu.memory_space<semaphore_mem>>
        %dma_start3A_54 = arith.constant 0 : i32
        %dma_start3A_55 = arith.constant 0 : i32
        %dma_start3A_56 = tpu.memref_slice %arg14[%get3A_49, %dma_start3A_54, %dma_start3A_55] : memref<3x1024x768xf32, #tpu.memory_space<vmem>> -> memref<1x1024x768xf32, #tpu.memory_space<vmem>>
        %dma_start3A_57 = tpu.memref_squeeze %dma_start3A_56 : memref<1x1024x768xf32, #tpu.memory_space<vmem>> -> memref<1024x768xf32, #tpu.memory_space<vmem>>
        %dma_start3A_58 = arith.constant 0 : i32
        %dma_start3A_59 = arith.constant 0 : i32
        %dma_start3A_60 = tpu.memref_slice %arg8[%get3A_52, %dma_start3A_58, %dma_start3A_59] : memref<16x1024x768xf32, #tpu.memory_space<any>> -> memref<1x1024x768xf32, #tpu.memory_space<any>>
        %dma_start3A_61 = tpu.memref_squeeze %dma_start3A_60 : memref<1x1024x768xf32, #tpu.memory_space<any>> -> memref<1024x768xf32, #tpu.memory_space<any>>
        tpu.enqueue_dma source(%dma_start3A_61 : memref<1024x768xf32, #tpu.memory_space<any>>) target(%dma_start3A_57 : memref<1024x768xf32, #tpu.memory_space<vmem>>) target_semaphore(%dma_start3A_53 : memref<!tpu.dma_semaphore, #tpu.memory_space<semaphore_mem>>)
        %dma_start3A_62 = tpu.memref_slice %arg19[%get3A_49] : memref<3x!tpu.dma_semaphore, #tpu.memory_space<semaphore_mem>> -> memref<1x!tpu.dma_semaphore, #tpu.memory_space<semaphore_mem>>
        %dma_start3A_63 = tpu.memref_squeeze %dma_start3A_62 : memref<1x!tpu.dma_semaphore, #tpu.memory_space<semaphore_mem>> -> memref<!tpu.dma_semaphore, #tpu.memory_space<semaphore_mem>>
        %dma_start3A_64 = arith.constant 0 : i32
        %dma_start3A_65 = arith.constant 0 : i32
        %dma_start3A_66 = tpu.memref_slice %arg15[%get3A_49, %dma_start3A_64, %dma_start3A_65] : memref<3x768x1024xf32, #tpu.memory_space<vmem>> -> memref<1x768x1024xf32, #tpu.memory_space<vmem>>
        %dma_start3A_67 = tpu.memref_squeeze %dma_start3A_66 : memref<1x768x1024xf32, #tpu.memory_space<vmem>> -> memref<768x1024xf32, #tpu.memory_space<vmem>>
        %dma_start3A_68 = arith.constant 0 : i32
        %dma_start3A_69 = arith.constant 0 : i32
        %dma_start3A_70 = tpu.memref_slice %arg10[%get3A_52, %dma_start3A_68, %dma_start3A_69] : memref<16x768x1024xf32, #tpu.memory_space<any>> -> memref<1x768x1024xf32, #tpu.memory_space<any>>
        %dma_start3A_71 = tpu.memref_squeeze %dma_start3A_70 : memref<1x768x1024xf32, #tpu.memory_space<any>> -> memref<768x1024xf32, #tpu.memory_space<any>>
        tpu.enqueue_dma source(%dma_start3A_71 : memref<768x1024xf32, #tpu.memory_space<any>>) target(%dma_start3A_67 : memref<768x1024xf32, #tpu.memory_space<vmem>>) target_semaphore(%dma_start3A_63 : memref<!tpu.dma_semaphore, #tpu.memory_space<semaphore_mem>>)
      } else {
      }
      %get3A_31 = arith.constant 1 : index
      %get3A_32 = arith.constant 0 : index
      %get3A_33 = memref.load %arg3[%get3A_31, %get3A_32] : memref<24x1xi32, #tpu.memory_space<smem>>
      %eq3A_34 = arith.constant 1 : i32
      %eq3A_35 = arith.cmpi eq, %get3A_33, %eq3A_34 : i32
      %convert_element_type3A_36 = arith.extui %eq3A_35 : i1 to i32
      %cond3A_37 = arith.constant 0 : i32
      %cond3A_38 = arith.cmpi ne, %convert_element_type3A_36, %cond3A_37 : i32
      scf.if %cond3A_38 {
        %get3A_47 = arith.constant 1 : index
        %get3A_48 = arith.constant 0 : index
        %get3A_49 = memref.load %arg4[%get3A_47, %get3A_48] : memref<24x1xi32, #tpu.memory_space<smem>>
        %get3A_50 = arith.constant 1 : index
        %get3A_51 = arith.constant 0 : index
        %get3A_52 = memref.load %arg1[%get3A_50, %get3A_51] : memref<24x1xi32, #tpu.memory_space<smem>>
        %dma_start3A = tpu.memref_slice %arg18[%get3A_49] : memref<3x!tpu.dma_semaphore, #tpu.memory_space<semaphore_mem>> -> memref<1x!tpu.dma_semaphore, #tpu.memory_space<semaphore_mem>>
        %dma_start3A_53 = tpu.memref_squeeze %dma_start3A : memref<1x!tpu.dma_semaphore, #tpu.memory_space<semaphore_mem>> -> memref<!tpu.dma_semaphore, #tpu.memory_space<semaphore_mem>>
        %dma_start3A_54 = arith.constant 0 : i32
        %dma_start3A_55 = arith.constant 0 : i32
        %dma_start3A_56 = tpu.memref_slice %arg14[%get3A_49, %dma_start3A_54, %dma_start3A_55] : memref<3x1024x768xf32, #tpu.memory_space<vmem>> -> memref<1x1024x768xf32, #tpu.memory_space<vmem>>
        %dma_start3A_57 = tpu.memref_squeeze %dma_start3A_56 : memref<1x1024x768xf32, #tpu.memory_space<vmem>> -> memref<1024x768xf32, #tpu.memory_space<vmem>>
        %dma_start3A_58 = arith.constant 0 : i32
        %dma_start3A_59 = arith.constant 0 : i32
        %dma_start3A_60 = tpu.memref_slice %arg8[%get3A_52, %dma_start3A_58, %dma_start3A_59] : memref<16x1024x768xf32, #tpu.memory_space<any>> -> memref<1x1024x768xf32, #tpu.memory_space<any>>
        %dma_start3A_61 = tpu.memref_squeeze %dma_start3A_60 : memref<1x1024x768xf32, #tpu.memory_space<any>> -> memref<1024x768xf32, #tpu.memory_space<any>>
        tpu.enqueue_dma source(%dma_start3A_61 : memref<1024x768xf32, #tpu.memory_space<any>>) target(%dma_start3A_57 : memref<1024x768xf32, #tpu.memory_space<vmem>>) target_semaphore(%dma_start3A_53 : memref<!tpu.dma_semaphore, #tpu.memory_space<semaphore_mem>>)
        %dma_start3A_62 = tpu.memref_slice %arg19[%get3A_49] : memref<3x!tpu.dma_semaphore, #tpu.memory_space<semaphore_mem>> -> memref<1x!tpu.dma_semaphore, #tpu.memory_space<semaphore_mem>>
        %dma_start3A_63 = tpu.memref_squeeze %dma_start3A_62 : memref<1x!tpu.dma_semaphore, #tpu.memory_space<semaphore_mem>> -> memref<!tpu.dma_semaphore, #tpu.memory_space<semaphore_mem>>
        %dma_start3A_64 = arith.constant 0 : i32
        %dma_start3A_65 = arith.constant 0 : i32
        %dma_start3A_66 = tpu.memref_slice %arg15[%get3A_49, %dma_start3A_64, %dma_start3A_65] : memref<3x768x1024xf32, #tpu.memory_space<vmem>> -> memref<1x768x1024xf32, #tpu.memory_space<vmem>>
        %dma_start3A_67 = tpu.memref_squeeze %dma_start3A_66 : memref<1x768x1024xf32, #tpu.memory_space<vmem>> -> memref<768x1024xf32, #tpu.memory_space<vmem>>
        %dma_start3A_68 = arith.constant 0 : i32
        %dma_start3A_69 = arith.constant 0 : i32
        %dma_start3A_70 = tpu.memref_slice %arg10[%get3A_52, %dma_start3A_68, %dma_start3A_69] : memref<16x768x1024xf32, #tpu.memory_space<any>> -> memref<1x768x1024xf32, #tpu.memory_space<any>>
        %dma_start3A_71 = tpu.memref_squeeze %dma_start3A_70 : memref<1x768x1024xf32, #tpu.memory_space<any>> -> memref<768x1024xf32, #tpu.memory_space<any>>
        tpu.enqueue_dma source(%dma_start3A_71 : memref<768x1024xf32, #tpu.memory_space<any>>) target(%dma_start3A_67 : memref<768x1024xf32, #tpu.memory_space<vmem>>) target_semaphore(%dma_start3A_63 : memref<!tpu.dma_semaphore, #tpu.memory_space<semaphore_mem>>)
      } else {
      }
      %get3A_39 = arith.constant 2 : index
      %get3A_40 = arith.constant 0 : index
      %get3A_41 = memref.load %arg3[%get3A_39, %get3A_40] : memref<24x1xi32, #tpu.memory_space<smem>>
      %eq3A_42 = arith.constant 1 : i32
      %eq3A_43 = arith.cmpi eq, %get3A_41, %eq3A_42 : i32
      %convert_element_type3A_44 = arith.extui %eq3A_43 : i1 to i32
      %cond3A_45 = arith.constant 0 : i32
      %cond3A_46 = arith.cmpi ne, %convert_element_type3A_44, %cond3A_45 : i32
      scf.if %cond3A_46 {
        %get3A_47 = arith.constant 2 : index
        %get3A_48 = arith.constant 0 : index
        %get3A_49 = memref.load %arg4[%get3A_47, %get3A_48] : memref<24x1xi32, #tpu.memory_space<smem>>
        %get3A_50 = arith.constant 2 : index
        %get3A_51 = arith.constant 0 : index
        %get3A_52 = memref.load %arg1[%get3A_50, %get3A_51] : memref<24x1xi32, #tpu.memory_space<smem>>
        %dma_start3A = tpu.memref_slice %arg18[%get3A_49] : memref<3x!tpu.dma_semaphore, #tpu.memory_space<semaphore_mem>> -> memref<1x!tpu.dma_semaphore, #tpu.memory_space<semaphore_mem>>
        %dma_start3A_53 = tpu.memref_squeeze %dma_start3A : memref<1x!tpu.dma_semaphore, #tpu.memory_space<semaphore_mem>> -> memref<!tpu.dma_semaphore, #tpu.memory_space<semaphore_mem>>
        %dma_start3A_54 = arith.constant 0 : i32
        %dma_start3A_55 = arith.constant 0 : i32
        %dma_start3A_56 = tpu.memref_slice %arg14[%get3A_49, %dma_start3A_54, %dma_start3A_55] : memref<3x1024x768xf32, #tpu.memory_space<vmem>> -> memref<1x1024x768xf32, #tpu.memory_space<vmem>>
        %dma_start3A_57 = tpu.memref_squeeze %dma_start3A_56 : memref<1x1024x768xf32, #tpu.memory_space<vmem>> -> memref<1024x768xf32, #tpu.memory_space<vmem>>
        %dma_start3A_58 = arith.constant 0 : i32
        %dma_start3A_59 = arith.constant 0 : i32
        %dma_start3A_60 = tpu.memref_slice %arg8[%get3A_52, %dma_start3A_58, %dma_start3A_59] : memref<16x1024x768xf32, #tpu.memory_space<any>> -> memref<1x1024x768xf32, #tpu.memory_space<any>>
        %dma_start3A_61 = tpu.memref_squeeze %dma_start3A_60 : memref<1x1024x768xf32, #tpu.memory_space<any>> -> memref<1024x768xf32, #tpu.memory_space<any>>
        tpu.enqueue_dma source(%dma_start3A_61 : memref<1024x768xf32, #tpu.memory_space<any>>) target(%dma_start3A_57 : memref<1024x768xf32, #tpu.memory_space<vmem>>) target_semaphore(%dma_start3A_53 : memref<!tpu.dma_semaphore, #tpu.memory_space<semaphore_mem>>)
        %dma_start3A_62 = tpu.memref_slice %arg19[%get3A_49] : memref<3x!tpu.dma_semaphore, #tpu.memory_space<semaphore_mem>> -> memref<1x!tpu.dma_semaphore, #tpu.memory_space<semaphore_mem>>
        %dma_start3A_63 = tpu.memref_squeeze %dma_start3A_62 : memref<1x!tpu.dma_semaphore, #tpu.memory_space<semaphore_mem>> -> memref<!tpu.dma_semaphore, #tpu.memory_space<semaphore_mem>>
        %dma_start3A_64 = arith.constant 0 : i32
        %dma_start3A_65 = arith.constant 0 : i32
        %dma_start3A_66 = tpu.memref_slice %arg15[%get3A_49, %dma_start3A_64, %dma_start3A_65] : memref<3x768x1024xf32, #tpu.memory_space<vmem>> -> memref<1x768x1024xf32, #tpu.memory_space<vmem>>
        %dma_start3A_67 = tpu.memref_squeeze %dma_start3A_66 : memref<1x768x1024xf32, #tpu.memory_space<vmem>> -> memref<768x1024xf32, #tpu.memory_space<vmem>>
        %dma_start3A_68 = arith.constant 0 : i32
        %dma_start3A_69 = arith.constant 0 : i32
        %dma_start3A_70 = tpu.memref_slice %arg10[%get3A_52, %dma_start3A_68, %dma_start3A_69] : memref<16x768x1024xf32, #tpu.memory_space<any>> -> memref<1x768x1024xf32, #tpu.memory_space<any>>
        %dma_start3A_71 = tpu.memref_squeeze %dma_start3A_70 : memref<1x768x1024xf32, #tpu.memory_space<any>> -> memref<768x1024xf32, #tpu.memory_space<any>>
        tpu.enqueue_dma source(%dma_start3A_71 : memref<768x1024xf32, #tpu.memory_space<any>>) target(%dma_start3A_67 : memref<768x1024xf32, #tpu.memory_space<vmem>>) target_semaphore(%dma_start3A_63 : memref<!tpu.dma_semaphore, #tpu.memory_space<semaphore_mem>>)
      } else {
      }
    } else {
    }
    %gt3A = arith.constant 0 : i32
    %gt3A_2 = arith.cmpi sgt, %arg0, %gt3A : i32
    %add3A = arith.constant 2 : i32
    %add3A_3 = arith.addi %arg0, %add3A : i32
    %lt3A = arith.constant 24 : i32
    %lt3A_4 = arith.cmpi slt, %add3A_3, %lt3A : i32
    %and3A = arith.andi %gt3A_2, %lt3A_4 : i1
    %convert_element_type3A_5 = arith.extui %and3A : i1 to i32
    %cond3A_6 = arith.constant 0 : i32
    %cond3A_7 = arith.cmpi ne, %convert_element_type3A_5, %cond3A_6 : i32
    scf.if %cond3A_7 {
      %add3A_23 = arith.constant 2 : i32
      %add3A_24 = arith.addi %arg0, %add3A_23 : i32
      %get3A_25 = arith.index_cast %add3A_24 : i32 to index
      %get3A_26 = arith.constant 0 : index
      %get3A_27 = memref.load %arg3[%get3A_25, %get3A_26] : memref<24x1xi32, #tpu.memory_space<smem>>
      %eq3A_28 = arith.constant 1 : i32
      %eq3A_29 = arith.cmpi eq, %get3A_27, %eq3A_28 : i32
      %convert_element_type3A_30 = arith.extui %eq3A_29 : i1 to i32
      %cond3A_31 = arith.constant 0 : i32
      %cond3A_32 = arith.cmpi ne, %convert_element_type3A_30, %cond3A_31 : i32
      scf.if %cond3A_32 {
        %get3A_33 = arith.index_cast %add3A_24 : i32 to index
        %get3A_34 = arith.constant 0 : index
        %get3A_35 = memref.load %arg4[%get3A_33, %get3A_34] : memref<24x1xi32, #tpu.memory_space<smem>>
        %get3A_36 = arith.index_cast %add3A_24 : i32 to index
        %get3A_37 = arith.constant 0 : index
        %get3A_38 = memref.load %arg1[%get3A_36, %get3A_37] : memref<24x1xi32, #tpu.memory_space<smem>>
        %dma_start3A = tpu.memref_slice %arg18[%get3A_35] : memref<3x!tpu.dma_semaphore, #tpu.memory_space<semaphore_mem>> -> memref<1x!tpu.dma_semaphore, #tpu.memory_space<semaphore_mem>>
        %dma_start3A_39 = tpu.memref_squeeze %dma_start3A : memref<1x!tpu.dma_semaphore, #tpu.memory_space<semaphore_mem>> -> memref<!tpu.dma_semaphore, #tpu.memory_space<semaphore_mem>>
        %dma_start3A_40 = arith.constant 0 : i32
        %dma_start3A_41 = arith.constant 0 : i32
        %dma_start3A_42 = tpu.memref_slice %arg14[%get3A_35, %dma_start3A_40, %dma_start3A_41] : memref<3x1024x768xf32, #tpu.memory_space<vmem>> -> memref<1x1024x768xf32, #tpu.memory_space<vmem>>
        %dma_start3A_43 = tpu.memref_squeeze %dma_start3A_42 : memref<1x1024x768xf32, #tpu.memory_space<vmem>> -> memref<1024x768xf32, #tpu.memory_space<vmem>>
        %dma_start3A_44 = arith.constant 0 : i32
        %dma_start3A_45 = arith.constant 0 : i32
        %dma_start3A_46 = tpu.memref_slice %arg8[%get3A_38, %dma_start3A_44, %dma_start3A_45] : memref<16x1024x768xf32, #tpu.memory_space<any>> -> memref<1x1024x768xf32, #tpu.memory_space<any>>
        %dma_start3A_47 = tpu.memref_squeeze %dma_start3A_46 : memref<1x1024x768xf32, #tpu.memory_space<any>> -> memref<1024x768xf32, #tpu.memory_space<any>>
        tpu.enqueue_dma source(%dma_start3A_47 : memref<1024x768xf32, #tpu.memory_space<any>>) target(%dma_start3A_43 : memref<1024x768xf32, #tpu.memory_space<vmem>>) target_semaphore(%dma_start3A_39 : memref<!tpu.dma_semaphore, #tpu.memory_space<semaphore_mem>>)
        %dma_start3A_48 = tpu.memref_slice %arg19[%get3A_35] : memref<3x!tpu.dma_semaphore, #tpu.memory_space<semaphore_mem>> -> memref<1x!tpu.dma_semaphore, #tpu.memory_space<semaphore_mem>>
        %dma_start3A_49 = tpu.memref_squeeze %dma_start3A_48 : memref<1x!tpu.dma_semaphore, #tpu.memory_space<semaphore_mem>> -> memref<!tpu.dma_semaphore, #tpu.memory_space<semaphore_mem>>
        %dma_start3A_50 = arith.constant 0 : i32
        %dma_start3A_51 = arith.constant 0 : i32
        %dma_start3A_52 = tpu.memref_slice %arg15[%get3A_35, %dma_start3A_50, %dma_start3A_51] : memref<3x768x1024xf32, #tpu.memory_space<vmem>> -> memref<1x768x1024xf32, #tpu.memory_space<vmem>>
        %dma_start3A_53 = tpu.memref_squeeze %dma_start3A_52 : memref<1x768x1024xf32, #tpu.memory_space<vmem>> -> memref<768x1024xf32, #tpu.memory_space<vmem>>
        %dma_start3A_54 = arith.constant 0 : i32
        %dma_start3A_55 = arith.constant 0 : i32
        %dma_start3A_56 = tpu.memref_slice %arg10[%get3A_38, %dma_start3A_54, %dma_start3A_55] : memref<16x768x1024xf32, #tpu.memory_space<any>> -> memref<1x768x1024xf32, #tpu.memory_space<any>>
        %dma_start3A_57 = tpu.memref_squeeze %dma_start3A_56 : memref<1x768x1024xf32, #tpu.memory_space<any>> -> memref<768x1024xf32, #tpu.memory_space<any>>
        tpu.enqueue_dma source(%dma_start3A_57 : memref<768x1024xf32, #tpu.memory_space<any>>) target(%dma_start3A_53 : memref<768x1024xf32, #tpu.memory_space<vmem>>) target_semaphore(%dma_start3A_49 : memref<!tpu.dma_semaphore, #tpu.memory_space<semaphore_mem>>)
      } else {
      }
    } else {
    }
    %get3A = arith.index_cast %arg0 : i32 to index
    %get3A_8 = arith.constant 0 : index
    %get3A_9 = memref.load %arg3[%get3A, %get3A_8] : memref<24x1xi32, #tpu.memory_space<smem>>
    %eq3A_10 = arith.constant 1 : i32
    %eq3A_11 = arith.cmpi eq, %get3A_9, %eq3A_10 : i32
    %convert_element_type3A_12 = arith.extui %eq3A_11 : i1 to i32
    %cond3A_13 = arith.constant 0 : i32
    %cond3A_14 = arith.cmpi ne, %convert_element_type3A_12, %cond3A_13 : i32
    scf.if %cond3A_14 {
      %get3A_23 = arith.index_cast %arg0 : i32 to index
      %get3A_24 = arith.constant 0 : index
      %get3A_25 = memref.load %arg4[%get3A_23, %get3A_24] : memref<24x1xi32, #tpu.memory_space<smem>>
      %get3A_26 = arith.index_cast %arg0 : i32 to index
      %get3A_27 = arith.constant 0 : index
      %get3A_28 = memref.load %arg1[%get3A_26, %get3A_27] : memref<24x1xi32, #tpu.memory_space<smem>>
      %dma_wait3A = tpu.memref_slice %arg18[%get3A_25] : memref<3x!tpu.dma_semaphore, #tpu.memory_space<semaphore_mem>> -> memref<1x!tpu.dma_semaphore, #tpu.memory_space<semaphore_mem>>
      %dma_wait3A_29 = tpu.memref_squeeze %dma_wait3A : memref<1x!tpu.dma_semaphore, #tpu.memory_space<semaphore_mem>> -> memref<!tpu.dma_semaphore, #tpu.memory_space<semaphore_mem>>
      %dma_wait3A_30 = arith.constant 0 : i32
      %dma_wait3A_31 = arith.constant 0 : i32
      %dma_wait3A_32 = tpu.memref_slice %arg14[%get3A_25, %dma_wait3A_30, %dma_wait3A_31] : memref<3x1024x768xf32, #tpu.memory_space<vmem>> -> memref<1x1024x768xf32, #tpu.memory_space<vmem>>
      %dma_wait3A_33 = tpu.memref_squeeze %dma_wait3A_32 : memref<1x1024x768xf32, #tpu.memory_space<vmem>> -> memref<1024x768xf32, #tpu.memory_space<vmem>>
      %dma_wait3A_34 = arith.constant 0 : i32
      %dma_wait3A_35 = arith.constant 0 : i32
      %dma_wait3A_36 = tpu.memref_slice %arg8[%get3A_28, %dma_wait3A_34, %dma_wait3A_35] : memref<16x1024x768xf32, #tpu.memory_space<any>> -> memref<1x1024x768xf32, #tpu.memory_space<any>>
      %dma_wait3A_37 = tpu.memref_squeeze %dma_wait3A_36 : memref<1x1024x768xf32, #tpu.memory_space<any>> -> memref<1024x768xf32, #tpu.memory_space<any>>
      tpu.wait_dma2 semaphore(%dma_wait3A_29 : memref<!tpu.dma_semaphore, #tpu.memory_space<semaphore_mem>>) src(%dma_wait3A_37 : memref<1024x768xf32, #tpu.memory_space<any>>) dst(%dma_wait3A_33 : memref<1024x768xf32, #tpu.memory_space<vmem>>)
      %dma_wait3A_38 = tpu.memref_slice %arg19[%get3A_25] : memref<3x!tpu.dma_semaphore, #tpu.memory_space<semaphore_mem>> -> memref<1x!tpu.dma_semaphore, #tpu.memory_space<semaphore_mem>>
      %dma_wait3A_39 = tpu.memref_squeeze %dma_wait3A_38 : memref<1x!tpu.dma_semaphore, #tpu.memory_space<semaphore_mem>> -> memref<!tpu.dma_semaphore, #tpu.memory_space<semaphore_mem>>
      %dma_wait3A_40 = arith.constant 0 : i32
      %dma_wait3A_41 = arith.constant 0 : i32
      %dma_wait3A_42 = tpu.memref_slice %arg15[%get3A_25, %dma_wait3A_40, %dma_wait3A_41] : memref<3x768x1024xf32, #tpu.memory_space<vmem>> -> memref<1x768x1024xf32, #tpu.memory_space<vmem>>
      %dma_wait3A_43 = tpu.memref_squeeze %dma_wait3A_42 : memref<1x768x1024xf32, #tpu.memory_space<vmem>> -> memref<768x1024xf32, #tpu.memory_space<vmem>>
      %dma_wait3A_44 = arith.constant 0 : i32
      %dma_wait3A_45 = arith.constant 0 : i32
      %dma_wait3A_46 = tpu.memref_slice %arg10[%get3A_28, %dma_wait3A_44, %dma_wait3A_45] : memref<16x768x1024xf32, #tpu.memory_space<any>> -> memref<1x768x1024xf32, #tpu.memory_space<any>>
      %dma_wait3A_47 = tpu.memref_squeeze %dma_wait3A_46 : memref<1x768x1024xf32, #tpu.memory_space<any>> -> memref<768x1024xf32, #tpu.memory_space<any>>
      tpu.wait_dma2 semaphore(%dma_wait3A_39 : memref<!tpu.dma_semaphore, #tpu.memory_space<semaphore_mem>>) src(%dma_wait3A_47 : memref<768x1024xf32, #tpu.memory_space<any>>) dst(%dma_wait3A_43 : memref<768x1024xf32, #tpu.memory_space<vmem>>)
      %get3A_48 = arith.index_cast %arg0 : i32 to index
      %get3A_49 = arith.constant 0 : index
      %get3A_50 = memref.load %arg4[%get3A_48, %get3A_49] : memref<24x1xi32, #tpu.memory_space<smem>>
      %get3A_51 = arith.index_cast %get3A_50 : i32 to index
      %get3A_52 = arith.constant 0 : index
      %get3A_53 = arith.constant 0 : index
      %get3A_54 = vector.load %arg14[%get3A_51, %get3A_52, %get3A_53] : memref<3x1024x768xf32, #tpu.memory_space<vmem>>, vector<1x1024x768xf32>
      %convert_element_type3A_55 = arith.truncf %get3A_54 : vector<1x1024x768xf32> to vector<1x1024x768xbf16>
      %swap3A = arith.index_cast %get3A_50 : i32 to index
      %swap3A_56 = arith.constant 0 : index
      %swap3A_57 = arith.constant 0 : index
      %swap3A_58 = vector.load %arg16[%swap3A, %swap3A_56, %swap3A_57] : memref<3x1024x768xbf16, #tpu.memory_space<vmem>>, vector<1x1024x768xbf16>
      tpu.vector_store %arg16[%swap3A, %swap3A_56, %swap3A_57], %convert_element_type3A_55 {strides = array<i32>} : memref<3x1024x768xbf16, #tpu.memory_space<vmem>>, vector<1x1024x768xbf16>,
      %get3A_59 = arith.index_cast %get3A_50 : i32 to index
      %get3A_60 = arith.constant 0 : index
      %get3A_61 = arith.constant 0 : index
      %get3A_62 = vector.load %arg15[%get3A_59, %get3A_60, %get3A_61] : memref<3x768x1024xf32, #tpu.memory_space<vmem>>, vector<1x768x1024xf32>
      %convert_element_type3A_63 = arith.truncf %get3A_62 : vector<1x768x1024xf32> to vector<1x768x1024xbf16>
      %swap3A_64 = arith.index_cast %get3A_50 : i32 to index
      %swap3A_65 = arith.constant 0 : index
      %swap3A_66 = arith.constant 0 : index
      %swap3A_67 = vector.load %arg17[%swap3A_64, %swap3A_65, %swap3A_66] : memref<3x768x1024xbf16, #tpu.memory_space<vmem>>, vector<1x768x1024xbf16>
      tpu.vector_store %arg17[%swap3A_64, %swap3A_65, %swap3A_66], %convert_element_type3A_63 {strides = array<i32>} : memref<3x768x1024xbf16, #tpu.memory_space<vmem>>, vector<1x768x1024xbf16>,
    } else {
    }
    %get3A_15 = arith.index_cast %arg0 : i32 to index
    %get3A_16 = arith.constant 0 : index
    %get3A_17 = memref.load %arg2[%get3A_15, %get3A_16] : memref<24x1xi32, #tpu.memory_space<smem>>
    %eq3A_18 = arith.constant 1 : i32
    %eq3A_19 = arith.cmpi eq, %get3A_17, %eq3A_18 : i32
    %convert_element_type3A_20 = arith.extui %eq3A_19 : i1 to i32
    %cond3A_21 = arith.constant 0 : i32
    %cond3A_22 = arith.cmpi ne, %convert_element_type3A_20, %cond3A_21 : i32
    scf.if %cond3A_22 {
      %get3A_23 = arith.index_cast %arg0 : i32 to index
      %get3A_24 = arith.constant 0 : index
      %get3A_25 = memref.load %arg4[%get3A_23, %get3A_24] : memref<24x1xi32, #tpu.memory_space<smem>>
      %get3A_26 = arith.index_cast %get3A_25 : i32 to index
      %get3A_27 = arith.constant 0 : index
      %get3A_28 = arith.constant 0 : index
      %get3A_29 = vector.load %arg16[%get3A_26, %get3A_27, %get3A_28] : memref<3x1024x768xbf16, #tpu.memory_space<vmem>>, vector<1x1024x768xbf16>
      %squeeze3A = vector.shape_cast %get3A_29 : vector<1x1024x768xbf16> to vector<1024x768xbf16>
      %get3A_30 = arith.index_cast %get3A_25 : i32 to index
      %get3A_31 = arith.constant 0 : index
      %get3A_32 = arith.constant 0 : index
      %get3A_33 = vector.load %arg17[%get3A_30, %get3A_31, %get3A_32] : memref<3x768x1024xbf16, #tpu.memory_space<vmem>>, vector<1x768x1024xbf16>
      %squeeze3A_34 = vector.shape_cast %get3A_33 : vector<1x768x1024xbf16> to vector<768x1024xbf16>
      %get3A_35 = arith.constant 0 : index
      %get3A_36 = arith.constant 0 : index
      %get3A_37 = vector.load %arg7[%get3A_35, %get3A_36] : memref<256x768xf32, #tpu.memory_space<vmem>>, vector<256x768xf32>
      %convert_element_type3A_38 = arith.truncf %get3A_37 : vector<256x768xf32> to vector<256x768xbf16>
      %dot_general3A = arith.constant dense<0.000000e+00> : vector<256x1024xf32>
      %dot_general3A_39 = tpu.matmul %convert_element_type3A_38, %squeeze3A, %dot_general3A {dimension_numbers = #tpu.dot_dimension_numbers<[1], [1], [0], [0], [0, 0, 1, 0], [], []>, transpose_lhs_hint = false} : vector<256x768xbf16>, vector<1024x768xbf16>, vector<256x1024xf32> -> vector<256x1024xf32>
      %get3A_40 = arith.constant 0 : index
      %get3A_41 = arith.constant 0 : index
      %get3A_42 = arith.constant 0 : index
      %get3A_43 = vector.load %arg9[%get3A_40, %get3A_41, %get3A_42] : memref<1x1x1024xf32, #tpu.memory_space<vmem>>, vector<1x1x1024xf32>
      %get3A_44 = vector.shape_cast %get3A_43 : vector<1x1x1024xf32> to vector<1x1024xf32>
      %add3A_45 = vector.broadcast %get3A_44 : vector<1x1024xf32> to vector<256x1024xf32>
      %add3A_46 = arith.addf %dot_general3A_39, %add3A_45 : vector<256x1024xf32>
      %mul3A = arith.constant 5.000000e-01 : f32
      %mul3A_47 = vector.broadcast %mul3A : f32 to vector<256x1024xf32>
      %mul3A_48 = arith.mulf %mul3A_47, %add3A_46 : vector<256x1024xf32>
      %mul3A_49 = arith.constant 0.707106769 : f32
      %mul3A_50 = vector.broadcast %mul3A_49 : f32 to vector<256x1024xf32>
      %mul3A_51 = arith.mulf %add3A_46, %mul3A_50 : vector<256x1024xf32>
      %erf3A = math.erf %mul3A_51 : vector<256x1024xf32>
      %add3A_52 = arith.constant 1.000000e+00 : f32
      %add3A_53 = vector.broadcast %add3A_52 : f32 to vector<256x1024xf32>
      %add3A_54 = arith.addf %add3A_53, %erf3A : vector<256x1024xf32>
      %mul3A_55 = arith.mulf %mul3A_48, %add3A_54 : vector<256x1024xf32>
      %convert_element_type3A_56 = arith.truncf %mul3A_55 : vector<256x1024xf32> to vector<256x1024xbf16>
      %dot_general3A_57 = arith.constant dense<0.000000e+00> : vector<256x768xf32>
      %dot_general3A_58 = tpu.matmul %convert_element_type3A_56, %squeeze3A_34, %dot_general3A_57 {dimension_numbers = #tpu.dot_dimension_numbers<[1], [1], [0], [0], [0, 0, 1, 0], [], []>, transpose_lhs_hint = false} : vector<256x1024xbf16>, vector<768x1024xbf16>, vector<256x768xf32> -> vector<256x768xf32>
      %get3A_59 = arith.constant 0 : index
      %get3A_60 = arith.constant 0 : index
      %get3A_61 = arith.constant 0 : index
      %get3A_62 = vector.load %arg11[%get3A_59, %get3A_60, %get3A_61] : memref<1x1x768xf32, #tpu.memory_space<vmem>>, vector<1x1x768xf32>
      %get3A_63 = vector.shape_cast %get3A_62 : vector<1x1x768xf32> to vector<1x768xf32>
      %add3A_64 = vector.broadcast %get3A_63 : vector<1x768xf32> to vector<256x768xf32>
      %add3A_65 = arith.addf %dot_general3A_58, %add3A_64 : vector<256x768xf32>
      %get3A_66 = arith.constant 0 : index
      %get3A_67 = arith.constant 0 : index
      %get3A_68 = vector.load %arg12[%get3A_66, %get3A_67] : memref<256x128xf32, #tpu.memory_space<vmem>>, vector<256x1xf32>
      %mul3A_69 = vector.broadcast %get3A_68 : vector<256x1xf32> to vector<256x768xf32>
      %mul3A_70 = arith.mulf %add3A_65, %mul3A_69 : vector<256x768xf32>
      %swap3A = arith.constant 0 : index
      %swap3A_71 = arith.constant 0 : index
      %swap3A_72 = vector.load %arg13[%swap3A, %swap3A_71] : memref<256x768xf32, #tpu.memory_space<vmem>>, vector<256x768xf32>
      tpu.vector_store %arg13[%swap3A, %swap3A_71], %mul3A_70 {strides = array<i32>} : memref<256x768xf32, #tpu.memory_space<vmem>>, vector<256x768xf32>,
    } else {
    }
    return
  }
  func.func @transform_0(%arg0: i32, %arg1: memref<24x1xi32, #tpu.memory_space<smem>>, %arg2: memref<24x1xi32, #tpu.memory_space<smem>>, %arg3: memref<24x1xi32, #tpu.memory_space<smem>>, %arg4: memref<24x1xi32, #tpu.memory_space<smem>>, %arg5: memref<24x1xi32, #tpu.memory_space<smem>>, %arg6: memref<24x1xi32, #tpu.memory_space<smem>>) -> (i32, i32) {
    %get3A = arith.index_cast %arg0 : i32 to index
    %get3A_0 = arith.constant 0 : index
    %get3A_1 = memref.load %arg5[%get3A, %get3A_0] : memref<24x1xi32, #tpu.memory_space<smem>>
    %c0_i32 = arith.constant 0 : i32
    %c0_i32_2 = arith.constant 0 : i32
    return %get3A_1, %c0_i32 : i32, i32
  }
  func.func @transform_2(%arg0: i32, %arg1: memref<24x1xi32, #tpu.memory_space<smem>>, %arg2: memref<24x1xi32, #tpu.memory_space<smem>>, %arg3: memref<24x1xi32, #tpu.memory_space<smem>>, %arg4: memref<24x1xi32, #tpu.memory_space<smem>>, %arg5: memref<24x1xi32, #tpu.memory_space<smem>>, %arg6: memref<24x1xi32, #tpu.memory_space<smem>>) -> (i32, i32, i32) {
    %get3A = arith.index_cast %arg0 : i32 to index
    %get3A_0 = arith.constant 0 : index
    %get3A_1 = memref.load %arg1[%get3A, %get3A_0] : memref<24x1xi32, #tpu.memory_space<smem>>
    %c0_i32 = arith.constant 0 : i32
    %c0_i32_2 = arith.constant 0 : i32
    %c0_i32_3 = arith.constant 0 : i32
    return %get3A_1, %c0_i32, %c0_i32_2 : i32, i32, i32
  }
  func.func @transform_4(%arg0: i32, %arg1: memref<24x1xi32, #tpu.memory_space<smem>>, %arg2: memref<24x1xi32, #tpu.memory_space<smem>>, %arg3: memref<24x1xi32, #tpu.memory_space<smem>>, %arg4: memref<24x1xi32, #tpu.memory_space<smem>>, %arg5: memref<24x1xi32, #tpu.memory_space<smem>>, %arg6: memref<24x1xi32, #tpu.memory_space<smem>>) -> (i32, i32, i32) {
    %get3A = arith.index_cast %arg0 : i32 to index
    %get3A_0 = arith.constant 0 : index
    %get3A_1 = memref.load %arg1[%get3A, %get3A_0] : memref<24x1xi32, #tpu.memory_space<smem>>
    %c0_i32 = arith.constant 0 : i32
    %c0_i32_2 = arith.constant 0 : i32
    %c0_i32_3 = arith.constant 0 : i32
    return %get3A_1, %c0_i32, %c0_i32_2 : i32, i32, i32
  }
  func.func @transform_5(%arg0: i32, %arg1: memref<24x1xi32, #tpu.memory_space<smem>>, %arg2: memref<24x1xi32, #tpu.memory_space<smem>>, %arg3: memref<24x1xi32, #tpu.memory_space<smem>>, %arg4: memref<24x1xi32, #tpu.memory_space<smem>>, %arg5: memref<24x1xi32, #tpu.memory_space<smem>>, %arg6: memref<24x1xi32, #tpu.memory_space<smem>>) -> (i32, i32) {
    %get3A = arith.index_cast %arg0 : i32 to index
    %get3A_0 = arith.constant 0 : index
    %get3A_1 = memref.load %arg5[%get3A, %get3A_0] : memref<24x1xi32, #tpu.memory_space<smem>>
    %c0_i32 = arith.constant 0 : i32
    %c0_i32_2 = arith.constant 0 : i32
    return %get3A_1, %c0_i32 : i32, i32
  }
  func.func @transform_6(%arg0: i32, %arg1: memref<24x1xi32, #tpu.memory_space<smem>>, %arg2: memref<24x1xi32, #tpu.memory_space<smem>>, %arg3: memref<24x1xi32, #tpu.memory_space<smem>>, %arg4: memref<24x1xi32, #tpu.memory_space<smem>>, %arg5: memref<24x1xi32, #tpu.memory_space<smem>>, %arg6: memref<24x1xi32, #tpu.memory_space<smem>>) -> (i32, i32) {
    %get3A = arith.index_cast %arg0 : i32 to index
    %get3A_0 = arith.constant 0 : index
    %get3A_1 = memref.load %arg6[%get3A, %get3A_0] : memref<24x1xi32, #tpu.memory_space<smem>>
    %c0_i32 = arith.constant 0 : i32
    %c0_i32_2 = arith.constant 0 : i32
    return %get3A_1, %c0_i32 : i32, i32
  }
}

module attributes {stable_mosaic.version = 14 : i64} {
  func.func @_router_meta_body(%arg0: memref<2048x768xf32, #tpu.memory_space<vmem>>, %arg1: memref<16x768xf32, #tpu.memory_space<vmem>>, %arg2: memref<2048x1xi32, #tpu.memory_space<vmem>>, %arg3: memref<2048x128xf32, #tpu.memory_space<vmem>>, %arg4: memref<24x1xi32, #tpu.memory_space<vmem>>, %arg5: memref<24x1xi32, #tpu.memory_space<vmem>>, %arg6: memref<24x1xi32, #tpu.memory_space<vmem>>, %arg7: memref<24x1xi32, #tpu.memory_space<vmem>>, %arg8: memref<24x1xi32, #tpu.memory_space<vmem>>, %arg9: memref<24x1xi32, #tpu.memory_space<vmem>>, %arg10: memref<1x1xf32, #tpu.memory_space<vmem>>) attributes {dimension_semantics = [], scalar_prefetch = 0 : i64, scratch_operands = 0 : i64, tpu.core_type = #tpu.core_type<tc>} {
    %get3A = arith.constant 0 : index
    %get3A_0 = arith.constant 0 : index
    %get3A_1 = vector.load %arg0[%get3A, %get3A_0] : memref<2048x768xf32, #tpu.memory_space<vmem>>, vector<2048x768xf32>
    %get3A_2 = arith.constant 0 : index
    %get3A_3 = arith.constant 0 : index
    %get3A_4 = vector.load %arg1[%get3A_2, %get3A_3] : memref<16x768xf32, #tpu.memory_space<vmem>>, vector<16x768xf32>
    %dot_general3A = arith.constant dense<0.000000e+00> : vector<2048x16xf32>
    %dot_general3A_5 = tpu.matmul %get3A_1, %get3A_4, %dot_general3A {dimension_numbers = #tpu.dot_dimension_numbers<[1], [1], [0], [0], [0, 0, 1, 0], [], []>, transpose_lhs_hint = false} : vector<2048x768xf32>, vector<16x768xf32>, vector<2048x16xf32> -> vector<2048x16xf32>
    %div3A = arith.constant 1.000000e+00 : f32
    %div3A_6 = vector.broadcast %div3A : f32 to vector<2048x16xf32>
    %div3A_7 = arith.divf %dot_general3A_5, %div3A_6 : vector<2048x16xf32>
    %reduce_max3A = arith.constant dense<0xFF800000> : vector<2048xf32>
    %reduce_max3A_8 = vector.multi_reduction <maximumf>, %div3A_7, %reduce_max3A [1] : vector<2048x16xf32> to vector<2048xf32>
    %broadcast_in_dim3A = vector.shape_cast %reduce_max3A_8 : vector<2048xf32> to vector<2048x1xf32>
    %sub3A = vector.broadcast %broadcast_in_dim3A : vector<2048x1xf32> to vector<2048x16xf32>
    %sub3A_9 = arith.subf %div3A_7, %sub3A : vector<2048x16xf32>
    %exp3A = math.exp %sub3A_9 : vector<2048x16xf32>
    %reduce_sum3A = arith.constant dense<0.000000e+00> : vector<2048xf32>
    %reduce_sum3A_10 = vector.multi_reduction <add>, %exp3A, %reduce_sum3A [1] : vector<2048x16xf32> to vector<2048xf32>
    %broadcast_in_dim3A_11 = vector.shape_cast %reduce_sum3A_10 : vector<2048xf32> to vector<2048x1xf32>
    %div3A_12 = vector.broadcast %broadcast_in_dim3A_11 : vector<2048x1xf32> to vector<2048x16xf32>
    %div3A_13 = arith.divf %exp3A, %div3A_12 : vector<2048x16xf32>
    %reduce_max3A_14 = arith.constant dense<0xFF800000> : vector<2048xf32>
    %reduce_max3A_15 = vector.multi_reduction <maximumf>, %div3A_13, %reduce_max3A_14 [1] : vector<2048x16xf32> to vector<2048xf32>
    %broadcast_in_dim3A_16 = vector.shape_cast %reduce_max3A_15 : vector<2048xf32> to vector<2048x1xf32>
    %iota3A = tpu.iota {dimensions = array<i32: 1>} : vector<2048x16xi32>
    %eq3A = vector.broadcast %broadcast_in_dim3A_16 : vector<2048x1xf32> to vector<2048x16xf32>
    %eq3A_17 = arith.cmpf oeq, %div3A_13, %eq3A : vector<2048x16xf32>
    %jit3A = arith.constant 16 : i32
    %broadcast_in_dim3A_18 = vector.broadcast %jit3A : i32 to vector<2048x16xi32>
    %select_n3A = arith.select %eq3A_17, %iota3A, %broadcast_in_dim3A_18 : vector<2048x16xi1>, vector<2048x16xi32>
    %reduce_min3A = arith.constant dense<2147483647> : vector<2048xi32>
    %reduce_min3A_19 = vector.multi_reduction <minsi>, %select_n3A, %reduce_min3A [1] : vector<2048x16xi32> to vector<2048xi32>
    %broadcast_in_dim3A_20 = vector.shape_cast %reduce_min3A_19 : vector<2048xi32> to vector<2048x1xi32>
    %eq3A_21 = vector.broadcast %broadcast_in_dim3A_20 : vector<2048x1xi32> to vector<2048x16xi32>
    %eq3A_22 = arith.cmpi eq, %iota3A, %eq3A_21 : vector<2048x16xi32>
    %convert_element_type3A = arith.extui %eq3A_22 : vector<2048x16xi1> to vector<2048x16xi32>
    %convert_element_type3A_23 = arith.sitofp %convert_element_type3A : vector<2048x16xi32> to vector<2048x16xf32>
    %broadcast_in_dim3A_24 = arith.constant 0.000000e+00 : f32
    %broadcast_in_dim3A_25 = vector.broadcast %broadcast_in_dim3A_24 : f32 to vector<1x16xf32>
    %slice3A = vector.extract_strided_slice %convert_element_type3A_23 {offsets = [0, 0], sizes = [2047, 16], strides = [1, 1]} : vector<2048x16xf32> to vector<2047x16xf32>
    %concatenate3A = tpu.concatenate %broadcast_in_dim3A_25, %slice3A in 0 : vector<1x16xf32>, vector<2047x16xf32> -> vector<2048x16xf32>
    %add3A = arith.addf %convert_element_type3A_23, %concatenate3A : vector<2048x16xf32>
    %broadcast_in_dim3A_26 = arith.constant 0.000000e+00 : f32
    %broadcast_in_dim3A_27 = vector.broadcast %broadcast_in_dim3A_26 : f32 to vector<2x16xf32>
    %slice3A_28 = vector.extract_strided_slice %add3A {offsets = [0, 0], sizes = [2046, 16], strides = [1, 1]} : vector<2048x16xf32> to vector<2046x16xf32>
    %concatenate3A_29 = tpu.concatenate %broadcast_in_dim3A_27, %slice3A_28 in 0 : vector<2x16xf32>, vector<2046x16xf32> -> vector<2048x16xf32>
    %add3A_30 = arith.addf %add3A, %concatenate3A_29 : vector<2048x16xf32>
    %broadcast_in_dim3A_31 = arith.constant 0.000000e+00 : f32
    %broadcast_in_dim3A_32 = vector.broadcast %broadcast_in_dim3A_31 : f32 to vector<4x16xf32>
    %slice3A_33 = vector.extract_strided_slice %add3A_30 {offsets = [0, 0], sizes = [2044, 16], strides = [1, 1]} : vector<2048x16xf32> to vector<2044x16xf32>
    %concatenate3A_34 = tpu.concatenate %broadcast_in_dim3A_32, %slice3A_33 in 0 : vector<4x16xf32>, vector<2044x16xf32> -> vector<2048x16xf32>
    %add3A_35 = arith.addf %add3A_30, %concatenate3A_34 : vector<2048x16xf32>
    %broadcast_in_dim3A_36 = arith.constant 0.000000e+00 : f32
    %broadcast_in_dim3A_37 = vector.broadcast %broadcast_in_dim3A_36 : f32 to vector<8x16xf32>
    %slice3A_38 = vector.extract_strided_slice %add3A_35 {offsets = [0, 0], sizes = [2040, 16], strides = [1, 1]} : vector<2048x16xf32> to vector<2040x16xf32>
    %concatenate3A_39 = tpu.concatenate %broadcast_in_dim3A_37, %slice3A_38 in 0 : vector<8x16xf32>, vector<2040x16xf32> -> vector<2048x16xf32>
    %add3A_40 = arith.addf %add3A_35, %concatenate3A_39 : vector<2048x16xf32>
    %broadcast_in_dim3A_41 = arith.constant 0.000000e+00 : f32
    %broadcast_in_dim3A_42 = vector.broadcast %broadcast_in_dim3A_41 : f32 to vector<16x16xf32>
    %slice3A_43 = vector.extract_strided_slice %add3A_40 {offsets = [0, 0], sizes = [2032, 16], strides = [1, 1]} : vector<2048x16xf32> to vector<2032x16xf32>
    %concatenate3A_44 = tpu.concatenate %broadcast_in_dim3A_42, %slice3A_43 in 0 : vector<16x16xf32>, vector<2032x16xf32> -> vector<2048x16xf32>
    %add3A_45 = arith.addf %add3A_40, %concatenate3A_44 : vector<2048x16xf32>
    %broadcast_in_dim3A_46 = arith.constant 0.000000e+00 : f32
    %broadcast_in_dim3A_47 = vector.broadcast %broadcast_in_dim3A_46 : f32 to vector<32x16xf32>
    %slice3A_48 = vector.extract_strided_slice %add3A_45 {offsets = [0, 0], sizes = [2016, 16], strides = [1, 1]} : vector<2048x16xf32> to vector<2016x16xf32>
    %concatenate3A_49 = tpu.concatenate %broadcast_in_dim3A_47, %slice3A_48 in 0 : vector<32x16xf32>, vector<2016x16xf32> -> vector<2048x16xf32>
    %add3A_50 = arith.addf %add3A_45, %concatenate3A_49 : vector<2048x16xf32>
    %broadcast_in_dim3A_51 = arith.constant 0.000000e+00 : f32
    %broadcast_in_dim3A_52 = vector.broadcast %broadcast_in_dim3A_51 : f32 to vector<64x16xf32>
    %slice3A_53 = vector.extract_strided_slice %add3A_50 {offsets = [0, 0], sizes = [1984, 16], strides = [1, 1]} : vector<2048x16xf32> to vector<1984x16xf32>
    %concatenate3A_54 = tpu.concatenate %broadcast_in_dim3A_52, %slice3A_53 in 0 : vector<64x16xf32>, vector<1984x16xf32> -> vector<2048x16xf32>
    %add3A_55 = arith.addf %add3A_50, %concatenate3A_54 : vector<2048x16xf32>
    %broadcast_in_dim3A_56 = arith.constant 0.000000e+00 : f32
    %broadcast_in_dim3A_57 = vector.broadcast %broadcast_in_dim3A_56 : f32 to vector<128x16xf32>
    %slice3A_58 = vector.extract_strided_slice %add3A_55 {offsets = [0, 0], sizes = [1920, 16], strides = [1, 1]} : vector<2048x16xf32> to vector<1920x16xf32>
    %concatenate3A_59 = tpu.concatenate %broadcast_in_dim3A_57, %slice3A_58 in 0 : vector<128x16xf32>, vector<1920x16xf32> -> vector<2048x16xf32>
    %add3A_60 = arith.addf %add3A_55, %concatenate3A_59 : vector<2048x16xf32>
    %broadcast_in_dim3A_61 = arith.constant 0.000000e+00 : f32
    %broadcast_in_dim3A_62 = vector.broadcast %broadcast_in_dim3A_61 : f32 to vector<256x16xf32>
    %slice3A_63 = vector.extract_strided_slice %add3A_60 {offsets = [0, 0], sizes = [1792, 16], strides = [1, 1]} : vector<2048x16xf32> to vector<1792x16xf32>
    %concatenate3A_64 = tpu.concatenate %broadcast_in_dim3A_62, %slice3A_63 in 0 : vector<256x16xf32>, vector<1792x16xf32> -> vector<2048x16xf32>
    %add3A_65 = arith.addf %add3A_60, %concatenate3A_64 : vector<2048x16xf32>
    %broadcast_in_dim3A_66 = arith.constant 0.000000e+00 : f32
    %broadcast_in_dim3A_67 = vector.broadcast %broadcast_in_dim3A_66 : f32 to vector<512x16xf32>
    %slice3A_68 = vector.extract_strided_slice %add3A_65 {offsets = [0, 0], sizes = [1536, 16], strides = [1, 1]} : vector<2048x16xf32> to vector<1536x16xf32>
    %concatenate3A_69 = tpu.concatenate %broadcast_in_dim3A_67, %slice3A_68 in 0 : vector<512x16xf32>, vector<1536x16xf32> -> vector<2048x16xf32>
    %add3A_70 = arith.addf %add3A_65, %concatenate3A_69 : vector<2048x16xf32>
    %broadcast_in_dim3A_71 = arith.constant 0.000000e+00 : f32
    %broadcast_in_dim3A_72 = vector.broadcast %broadcast_in_dim3A_71 : f32 to vector<1024x16xf32>
    %slice3A_73 = vector.extract_strided_slice %add3A_70 {offsets = [0, 0], sizes = [1024, 16], strides = [1, 1]} : vector<2048x16xf32> to vector<1024x16xf32>
    %concatenate3A_74 = tpu.concatenate %broadcast_in_dim3A_72, %slice3A_73 in 0 : vector<1024x16xf32>, vector<1024x16xf32> -> vector<2048x16xf32>
    %add3A_75 = arith.addf %add3A_70, %concatenate3A_74 : vector<2048x16xf32>
    %slice3A_76 = vector.extract_strided_slice %add3A_75 {offsets = [2047, 0], sizes = [1, 16], strides = [1, 1]} : vector<2048x16xf32> to vector<1x16xf32>
    %mul3A = arith.mulf %add3A_75, %convert_element_type3A_23 : vector<2048x16xf32>
    %reduce_sum3A_77 = arith.constant dense<0.000000e+00> : vector<2048xf32>
    %reduce_sum3A_78 = vector.multi_reduction <add>, %mul3A, %reduce_sum3A_77 [1] : vector<2048x16xf32> to vector<2048xf32>
    %broadcast_in_dim3A_79 = vector.shape_cast %reduce_sum3A_78 : vector<2048xf32> to vector<2048x1xf32>
    %sub3A_80 = arith.constant 1.000000e+00 : f32
    %sub3A_81 = vector.broadcast %sub3A_80 : f32 to vector<2048x1xf32>
    %sub3A_82 = arith.subf %broadcast_in_dim3A_79, %sub3A_81 : vector<2048x1xf32>
    %div3A_83 = arith.constant 2.560000e+02 : f32
    %div3A_84 = vector.broadcast %div3A_83 : f32 to vector<1x16xf32>
    %div3A_85 = arith.divf %slice3A_76, %div3A_84 : vector<1x16xf32>
    %ceil3A = math.ceil %div3A_85 : vector<1x16xf32>
    %mul3A_86 = arith.constant 2.560000e+02 : f32
    %mul3A_87 = vector.broadcast %mul3A_86 : f32 to vector<1x16xf32>
    %mul3A_88 = arith.mulf %ceil3A, %mul3A_87 : vector<1x16xf32>
    %broadcast_in_dim3A_89 = arith.constant 0.000000e+00 : f32
    %broadcast_in_dim3A_90 = vector.broadcast %broadcast_in_dim3A_89 : f32 to vector<1x1xf32>
    %slice3A_91 = vector.extract_strided_slice %mul3A_88 {offsets = [0, 0], sizes = [1, 15], strides = [1, 1]} : vector<1x16xf32> to vector<1x15xf32>
    %concatenate3A_92 = tpu.concatenate %broadcast_in_dim3A_90, %slice3A_91 in 1 : vector<1x1xf32>, vector<1x15xf32> -> vector<1x16xf32>
    %add3A_93 = arith.addf %mul3A_88, %concatenate3A_92 : vector<1x16xf32>
    %broadcast_in_dim3A_94 = arith.constant 0.000000e+00 : f32
    %broadcast_in_dim3A_95 = vector.broadcast %broadcast_in_dim3A_94 : f32 to vector<1x2xf32>
    %slice3A_96 = vector.extract_strided_slice %add3A_93 {offsets = [0, 0], sizes = [1, 14], strides = [1, 1]} : vector<1x16xf32> to vector<1x14xf32>
    %concatenate3A_97 = tpu.concatenate %broadcast_in_dim3A_95, %slice3A_96 in 1 : vector<1x2xf32>, vector<1x14xf32> -> vector<1x16xf32>
    %add3A_98 = arith.addf %add3A_93, %concatenate3A_97 : vector<1x16xf32>
    %broadcast_in_dim3A_99 = arith.constant 0.000000e+00 : f32
    %broadcast_in_dim3A_100 = vector.broadcast %broadcast_in_dim3A_99 : f32 to vector<1x4xf32>
    %slice3A_101 = vector.extract_strided_slice %add3A_98 {offsets = [0, 0], sizes = [1, 12], strides = [1, 1]} : vector<1x16xf32> to vector<1x12xf32>
    %concatenate3A_102 = tpu.concatenate %broadcast_in_dim3A_100, %slice3A_101 in 1 : vector<1x4xf32>, vector<1x12xf32> -> vector<1x16xf32>
    %add3A_103 = arith.addf %add3A_98, %concatenate3A_102 : vector<1x16xf32>
    %broadcast_in_dim3A_104 = arith.constant 0.000000e+00 : f32
    %broadcast_in_dim3A_105 = vector.broadcast %broadcast_in_dim3A_104 : f32 to vector<1x8xf32>
    %slice3A_106 = vector.extract_strided_slice %add3A_103 {offsets = [0, 0], sizes = [1, 8], strides = [1, 1]} : vector<1x16xf32> to vector<1x8xf32>
    %concatenate3A_107 = tpu.concatenate %broadcast_in_dim3A_105, %slice3A_106 in 1 : vector<1x8xf32>, vector<1x8xf32> -> vector<1x16xf32>
    %add3A_108 = arith.addf %add3A_103, %concatenate3A_107 : vector<1x16xf32>
    %sub3A_109 = arith.subf %add3A_108, %mul3A_88 : vector<1x16xf32>
    %mul3A_110 = vector.broadcast %sub3A_109 : vector<1x16xf32> to vector<2048x16xf32>
    %mul3A_111 = arith.mulf %convert_element_type3A_23, %mul3A_110 : vector<2048x16xf32>
    %reduce_sum3A_112 = arith.constant dense<0.000000e+00> : vector<2048xf32>
    %reduce_sum3A_113 = vector.multi_reduction <add>, %mul3A_111, %reduce_sum3A_112 [1] : vector<2048x16xf32> to vector<2048xf32>
    %broadcast_in_dim3A_114 = vector.shape_cast %reduce_sum3A_113 : vector<2048xf32> to vector<2048x1xf32>
    %add3A_115 = arith.addf %broadcast_in_dim3A_114, %sub3A_82 : vector<2048x1xf32>
    %convert_element_type3A_116 = arith.fptosi %add3A_115 : vector<2048x1xf32> to vector<2048x1xi32>
    %swap3A = arith.constant 0 : index
    %swap3A_117 = arith.constant 0 : index
    %swap3A_118 = vector.load %arg2[%swap3A, %swap3A_117] : memref<2048x1xi32, #tpu.memory_space<vmem>>, vector<2048x1xi32>
    tpu.vector_store %arg2[%swap3A, %swap3A_117], %convert_element_type3A_116 {strides = array<i32>} : memref<2048x1xi32, #tpu.memory_space<vmem>>, vector<2048x1xi32>,
    %broadcast_in_dim3A_119 = vector.shape_cast %broadcast_in_dim3A_16 : vector<2048x1xf32> to vector<2048x1xf32>
    %broadcast_in_dim3A_120 = vector.broadcast %broadcast_in_dim3A_119 : vector<2048x1xf32> to vector<2048x128xf32>
    %swap3A_121 = arith.constant 0 : index
    %swap3A_122 = arith.constant 0 : index
    %swap3A_123 = vector.load %arg3[%swap3A_121, %swap3A_122] : memref<2048x128xf32, #tpu.memory_space<vmem>>, vector<2048x128xf32>
    tpu.vector_store %arg3[%swap3A_121, %swap3A_122], %broadcast_in_dim3A_120 {strides = array<i32>} : memref<2048x128xf32, #tpu.memory_space<vmem>>, vector<2048x128xf32>,
    %slice3A_124 = vector.extract_strided_slice %add3A_108 {offsets = [0, 15], sizes = [1, 1], strides = [1, 1]} : vector<1x16xf32> to vector<1x1xf32>
    %iota3A_125 = tpu.iota {dimensions = array<i32: 0>} : vector<24x16xi32>
    %convert_element_type3A_126 = arith.sitofp %iota3A_125 : vector<24x16xi32> to vector<24x16xf32>
    %mul3A_127 = arith.constant 2.560000e+02 : f32
    %mul3A_128 = vector.broadcast %mul3A_127 : f32 to vector<24x16xf32>
    %mul3A_129 = arith.mulf %convert_element_type3A_126, %mul3A_128 : vector<24x16xf32>
    %ge3A = vector.broadcast %add3A_108 : vector<1x16xf32> to vector<24x16xf32>
    %ge3A_130 = arith.cmpf oge, %mul3A_129, %ge3A : vector<24x16xf32>
    %convert_element_type3A_131 = arith.extui %ge3A_130 : vector<24x16xi1> to vector<24x16xi32>
    %reduce_sum3A_132 = arith.constant dense<0> : vector<24xi32>
    %reduce_sum3A_133 = vector.multi_reduction <add>, %convert_element_type3A_131, %reduce_sum3A_132 [1] : vector<24x16xi32> to vector<24xi32>
    %broadcast_in_dim3A_134 = vector.shape_cast %reduce_sum3A_133 : vector<24xi32> to vector<24x1xi32>
    %sub3A_135 = arith.constant 2.560000e+02 : f32
    %sub3A_136 = vector.broadcast %sub3A_135 : f32 to vector<1x1xf32>
    %sub3A_137 = arith.subf %slice3A_124, %sub3A_136 : vector<1x1xf32>
    %ge3A_138 = vector.broadcast %sub3A_137 : vector<1x1xf32> to vector<1x16xf32>
    %ge3A_139 = arith.cmpf oge, %ge3A_138, %add3A_108 : vector<1x16xf32>
    %convert_element_type3A_140 = arith.extui %ge3A_139 : vector<1x16xi1> to vector<1x16xi32>
    %reduce_sum3A_141 = arith.constant dense<0> : vector<1xi32>
    %reduce_sum3A_142 = vector.multi_reduction <add>, %convert_element_type3A_140, %reduce_sum3A_141 [1] : vector<1x16xi32> to vector<1xi32>
    %broadcast_in_dim3A_143 = vector.shape_cast %reduce_sum3A_142 : vector<1xi32> to vector<1x1xi32>
    %min3A = vector.broadcast %broadcast_in_dim3A_143 : vector<1x1xi32> to vector<24x1xi32>
    %min3A_144 = arith.minsi %broadcast_in_dim3A_134, %min3A : vector<24x1xi32>
    %swap3A_145 = arith.constant 0 : index
    %swap3A_146 = arith.constant 0 : index
    %swap3A_147 = vector.load %arg4[%swap3A_145, %swap3A_146] : memref<24x1xi32, #tpu.memory_space<vmem>>, vector<24x1xi32>
    tpu.vector_store %arg4[%swap3A_145, %swap3A_146], %min3A_144 {strides = array<i32>} : memref<24x1xi32, #tpu.memory_space<vmem>>, vector<24x1xi32>,
    %slice3A_148 = vector.extract_strided_slice %mul3A_129 {offsets = [0, 0], sizes = [24, 1], strides = [1, 1]} : vector<24x16xf32> to vector<24x1xf32>
    %lt3A = vector.broadcast %slice3A_124 : vector<1x1xf32> to vector<24x1xf32>
    %lt3A_149 = arith.cmpf olt, %slice3A_148, %lt3A : vector<24x1xf32>
    %convert_element_type3A_150 = arith.extui %lt3A_149 : vector<24x1xi1> to vector<24x1xi32>
    %swap3A_151 = arith.constant 0 : index
    %swap3A_152 = arith.constant 0 : index
    %swap3A_153 = vector.load %arg5[%swap3A_151, %swap3A_152] : memref<24x1xi32, #tpu.memory_space<vmem>>, vector<24x1xi32>
    tpu.vector_store %arg5[%swap3A_151, %swap3A_152], %convert_element_type3A_150 {strides = array<i32>} : memref<24x1xi32, #tpu.memory_space<vmem>>, vector<24x1xi32>,
    %broadcast_in_dim3A_154 = arith.constant -1 : i32
    %broadcast_in_dim3A_155 = vector.broadcast %broadcast_in_dim3A_154 : i32 to vector<1x1xi32>
    %slice3A_156 = vector.extract_strided_slice %min3A_144 {offsets = [0, 0], sizes = [23, 1], strides = [1, 1]} : vector<24x1xi32> to vector<23x1xi32>
    %concatenate3A_157 = tpu.concatenate %broadcast_in_dim3A_155, %slice3A_156 in 0 : vector<1x1xi32>, vector<23x1xi32> -> vector<24x1xi32>
    %ne3A = arith.cmpi ne, %min3A_144, %concatenate3A_157 : vector<24x1xi32>
    %convert_element_type3A_158 = arith.extui %ne3A : vector<24x1xi1> to vector<24x1xi32>
    %convert_element_type3A_159 = arith.sitofp %convert_element_type3A_158 : vector<24x1xi32> to vector<24x1xf32>
    %broadcast_in_dim3A_160 = arith.constant 0.000000e+00 : f32
    %broadcast_in_dim3A_161 = vector.broadcast %broadcast_in_dim3A_160 : f32 to vector<1x1xf32>
    %slice3A_162 = vector.extract_strided_slice %convert_element_type3A_159 {offsets = [0, 0], sizes = [23, 1], strides = [1, 1]} : vector<24x1xf32> to vector<23x1xf32>
    %concatenate3A_163 = tpu.concatenate %broadcast_in_dim3A_161, %slice3A_162 in 0 : vector<1x1xf32>, vector<23x1xf32> -> vector<24x1xf32>
    %add3A_164 = arith.addf %convert_element_type3A_159, %concatenate3A_163 : vector<24x1xf32>
    %broadcast_in_dim3A_165 = arith.constant 0.000000e+00 : f32
    %broadcast_in_dim3A_166 = vector.broadcast %broadcast_in_dim3A_165 : f32 to vector<2x1xf32>
    %slice3A_167 = vector.extract_strided_slice %add3A_164 {offsets = [0, 0], sizes = [22, 1], strides = [1, 1]} : vector<24x1xf32> to vector<22x1xf32>
    %concatenate3A_168 = tpu.concatenate %broadcast_in_dim3A_166, %slice3A_167 in 0 : vector<2x1xf32>, vector<22x1xf32> -> vector<24x1xf32>
    %add3A_169 = arith.addf %add3A_164, %concatenate3A_168 : vector<24x1xf32>
    %broadcast_in_dim3A_170 = arith.constant 0.000000e+00 : f32
    %broadcast_in_dim3A_171 = vector.broadcast %broadcast_in_dim3A_170 : f32 to vector<4x1xf32>
    %slice3A_172 = vector.extract_strided_slice %add3A_169 {offsets = [0, 0], sizes = [20, 1], strides = [1, 1]} : vector<24x1xf32> to vector<20x1xf32>
    %concatenate3A_173 = tpu.concatenate %broadcast_in_dim3A_171, %slice3A_172 in 0 : vector<4x1xf32>, vector<20x1xf32> -> vector<24x1xf32>
    %add3A_174 = arith.addf %add3A_169, %concatenate3A_173 : vector<24x1xf32>
    %broadcast_in_dim3A_175 = arith.constant 0.000000e+00 : f32
    %broadcast_in_dim3A_176 = vector.broadcast %broadcast_in_dim3A_175 : f32 to vector<8x1xf32>
    %slice3A_177 = vector.extract_strided_slice %add3A_174 {offsets = [0, 0], sizes = [16, 1], strides = [1, 1]} : vector<24x1xf32> to vector<16x1xf32>
    %concatenate3A_178 = tpu.concatenate %broadcast_in_dim3A_176, %slice3A_177 in 0 : vector<8x1xf32>, vector<16x1xf32> -> vector<24x1xf32>
    %add3A_179 = arith.addf %add3A_174, %concatenate3A_178 : vector<24x1xf32>
    %broadcast_in_dim3A_180 = arith.constant 0.000000e+00 : f32
    %broadcast_in_dim3A_181 = vector.broadcast %broadcast_in_dim3A_180 : f32 to vector<16x1xf32>
    %slice3A_182 = vector.extract_strided_slice %add3A_179 {offsets = [0, 0], sizes = [8, 1], strides = [1, 1]} : vector<24x1xf32> to vector<8x1xf32>
    %concatenate3A_183 = tpu.concatenate %broadcast_in_dim3A_181, %slice3A_182 in 0 : vector<16x1xf32>, vector<8x1xf32> -> vector<24x1xf32>
    %add3A_184 = arith.addf %add3A_179, %concatenate3A_183 : vector<24x1xf32>
    %div3A_185 = arith.constant 3.000000e+00 : f32
    %div3A_186 = vector.broadcast %div3A_185 : f32 to vector<24x1xf32>
    %div3A_187 = arith.divf %add3A_184, %div3A_186 : vector<24x1xf32>
    %floor3A = math.floor %div3A_187 : vector<24x1xf32>
    %mul3A_188 = arith.constant 3.000000e+00 : f32
    %mul3A_189 = vector.broadcast %mul3A_188 : f32 to vector<24x1xf32>
    %mul3A_190 = arith.mulf %mul3A_189, %floor3A : vector<24x1xf32>
    %sub3A_191 = arith.subf %add3A_184, %mul3A_190 : vector<24x1xf32>
    %convert_element_type3A_192 = arith.fptosi %convert_element_type3A_159 : vector<24x1xf32> to vector<24x1xi32>
    %swap3A_193 = arith.constant 0 : index
    %swap3A_194 = arith.constant 0 : index
    %swap3A_195 = vector.load %arg6[%swap3A_193, %swap3A_194] : memref<24x1xi32, #tpu.memory_space<vmem>>, vector<24x1xi32>
    tpu.vector_store %arg6[%swap3A_193, %swap3A_194], %convert_element_type3A_192 {strides = array<i32>} : memref<24x1xi32, #tpu.memory_space<vmem>>, vector<24x1xi32>,
    %convert_element_type3A_196 = arith.fptosi %sub3A_191 : vector<24x1xf32> to vector<24x1xi32>
    %swap3A_197 = arith.constant 0 : index
    %swap3A_198 = arith.constant 0 : index
    %swap3A_199 = vector.load %arg7[%swap3A_197, %swap3A_198] : memref<24x1xi32, #tpu.memory_space<vmem>>, vector<24x1xi32>
    tpu.vector_store %arg7[%swap3A_197, %swap3A_198], %convert_element_type3A_196 {strides = array<i32>} : memref<24x1xi32, #tpu.memory_space<vmem>>, vector<24x1xi32>,
    %div3A_200 = arith.constant 2.560000e+02 : f32
    %div3A_201 = vector.broadcast %div3A_200 : f32 to vector<1x1xf32>
    %div3A_202 = arith.divf %slice3A_124, %div3A_201 : vector<1x1xf32>
    %convert_element_type3A_203 = arith.fptosi %div3A_202 : vector<1x1xf32> to vector<1x1xi32>
    %sub3A_204 = arith.constant 1 : i32
    %sub3A_205 = vector.broadcast %sub3A_204 : i32 to vector<1x1xi32>
    %sub3A_206 = arith.subi %convert_element_type3A_203, %sub3A_205 : vector<1x1xi32>
    %iota3A_207 = tpu.iota {dimensions = array<i32: 0>} : vector<24x1xi32>
    %min3A_208 = vector.broadcast %sub3A_206 : vector<1x1xi32> to vector<24x1xi32>
    %min3A_209 = arith.minsi %iota3A_207, %min3A_208 : vector<24x1xi32>
    %swap3A_210 = arith.constant 0 : index
    %swap3A_211 = arith.constant 0 : index
    %swap3A_212 = vector.load %arg8[%swap3A_210, %swap3A_211] : memref<24x1xi32, #tpu.memory_space<vmem>>, vector<24x1xi32>
    tpu.vector_store %arg8[%swap3A_210, %swap3A_211], %min3A_209 {strides = array<i32>} : memref<24x1xi32, #tpu.memory_space<vmem>>, vector<24x1xi32>,
    %le3A = vector.broadcast %sub3A_206 : vector<1x1xi32> to vector<24x1xi32>
    %le3A_213 = arith.cmpi sle, %iota3A_207, %le3A : vector<24x1xi32>
    %jit3A_214 = arith.constant 24 : i32
    %broadcast_in_dim3A_215 = vector.broadcast %jit3A_214 : i32 to vector<24x1xi32>
    %select_n3A_216 = arith.select %le3A_213, %iota3A_207, %broadcast_in_dim3A_215 : vector<24x1xi1>, vector<24x1xi32>
    %swap3A_217 = arith.constant 0 : index
    %swap3A_218 = arith.constant 0 : index
    %swap3A_219 = vector.load %arg9[%swap3A_217, %swap3A_218] : memref<24x1xi32, #tpu.memory_space<vmem>>, vector<24x1xi32>
    tpu.vector_store %arg9[%swap3A_217, %swap3A_218], %select_n3A_216 {strides = array<i32>} : memref<24x1xi32, #tpu.memory_space<vmem>>, vector<24x1xi32>,
    %reduce_sum3A_220 = arith.constant dense<0.000000e+00> : vector<16xf32>
    %reduce_sum3A_221 = vector.multi_reduction <add>, %div3A_13, %reduce_sum3A_220 [0] : vector<2048x16xf32> to vector<16xf32>
    %broadcast_in_dim3A_222 = vector.shape_cast %reduce_sum3A_221 : vector<16xf32> to vector<1x16xf32>
    %div3A_223 = arith.constant 2.048000e+03 : f32
    %div3A_224 = vector.broadcast %div3A_223 : f32 to vector<1x16xf32>
    %div3A_225 = arith.divf %broadcast_in_dim3A_222, %div3A_224 : vector<1x16xf32>
    %div3A_226 = arith.constant 2.048000e+03 : f32
    %div3A_227 = vector.broadcast %div3A_226 : f32 to vector<1x16xf32>
    %div3A_228 = arith.divf %slice3A_76, %div3A_227 : vector<1x16xf32>
    %mul3A_229 = arith.mulf %div3A_225, %div3A_228 : vector<1x16xf32>
    %reduce_sum3A_230 = arith.constant dense<0.000000e+00> : vector<1xf32>
    %reduce_sum3A_231 = vector.multi_reduction <add>, %mul3A_229, %reduce_sum3A_230 [1] : vector<1x16xf32> to vector<1xf32>
    %broadcast_in_dim3A_232 = vector.shape_cast %reduce_sum3A_231 : vector<1xf32> to vector<1x1xf32>
    %mul3A_233 = arith.constant 1.600000e-01 : f32
    %mul3A_234 = vector.broadcast %mul3A_233 : f32 to vector<1x1xf32>
    %mul3A_235 = arith.mulf %mul3A_234, %broadcast_in_dim3A_232 : vector<1x1xf32>
    %swap3A_236 = arith.constant 0 : index
    %swap3A_237 = arith.constant 0 : index
    %swap3A_238 = vector.load %arg10[%swap3A_236, %swap3A_237] : memref<1x1xf32, #tpu.memory_space<vmem>>, vector<1x1xf32>
    tpu.vector_store %arg10[%swap3A_236, %swap3A_237], %mul3A_235 {strides = array<i32>} : memref<1x1xf32, #tpu.memory_space<vmem>>, vector<1x1xf32>,
    return
  }
}

</mosaic_0001>

<sc_bundles>
// kernel: kernel.6.cloned.1.call-start
scs
__scs_entry_jumppad:
0x0: {  	(pc) =	sbr.rel $0x88, $3  }
0x1: {  	(tag) =	ssettag $0x0;
	lr =	simm.s32 $0x1  }
0x2: {  	[smem:$0x3F9B] =	sst lr;
	_ =	strace $0xD0000000  }
0x3: {  	_ = 	snop  }
0x4: {  	_ = 	snop  }
0x5: {  	_ = 	snop  }
0x6: {  	_ = 	snop  }
0x7: {  	_ = 	snop  }
__scs_overlays_trampoline_lowered:
0x8: {  	[smem:$0x3FAA] =	sst s0  }
0x9: {  	[smem:$0x3FAB] =	sst s1  }
0xa: {  	[smem:$0x3FAC] =	sst s2  }
0xb: {  	[smem:$0x3FAD] =	sst s3  }
0xc: {  	[smem:$0x3FAE] =	sst s4  }
0xd: {  	[smem:$0x3FAF] =	sst s5  }
0xe: {  	[smem:$0x3FB0] =	sst s6  }
0xf: {  	[smem:$0x3FB1] =	sst s7  }
0x10: {  	[smem:$0x3FB2] =	sst s8  }
0x11: {  	[smem:$0x3FB3] =	sst s9;
	s0 =	simm.s32 @!p0 $0x0  }
0x12: {  	s1 =	sld [smem:$0x3F99];
	s0 =	simm.s32 @p0 $0x1  }
0x13: {  	[smem:$0x3FB4] =	sst s0;
	s0 =	simm.s32 @!p1 $0x0  }
0x14: {  	s2 =	sld [smem:$0x3F98];
	s0 =	simm.s32 @p1 $0x1  }
0x15: {  	[smem:$0x3FB5] =	sst s0;
	s0 =	simm.s32 @!p2 $0x0  }
0x16: {  	s3 =	sld [smem:$0x3FDB];
	s0 =	simm.s32 @p2 $0x1  }
0x17: {  	s4 =	simm.s32 $0x1BF5;
	[smem:$0x3FB7] =	sst s0  }
0x18: {  	s0 =	sld [smem:$0x3F9A];
	_ =	swait.ge [sflag:s4], $0x0  }
0x19: {  	s7 =	sld [smem:$0x3F9B]  }
0x1a: {  	s8 =	sadd.s32 $0xFFFFE003, lr  }
0x1b: {  	s9 =	sadd.s32 $0xFFFFFEF7, lr;
	s5 =	simm.s32 $0xFFFFFFFF;
	p2 =	slt.u32 s8, $0xFFFFF086  }
0x1c: {  	p1 =	slt.u32 s9, $0xF7A;
	s5 =	simm.s32 @!p2 $0x0  }
0x1d: {  	s5 =	simm.s32 @p1 $0x1;
	p0 =	seq.s32 s7, s2  }
0x1e: {  	s7 =	smul.u32 @!p0 $0xF7A, s2;
	p2 =	seq.s32 @!p0 s5, $0x0  }
0x1f: {  	s9 =	smul.u32 $0xF7A, s1;
	s8 =	simm.s32 @!p0 $0x1BF5;
	p2 =	por !p2, p0  }
0x20: {  	[sflag:s8] =	ssyncset.s32 @!p0 $0xFFFFF086;
	s6 =	sadd.s32 @!p0 s3, s7;
	s7 =	simm.s32 @!p0 $0x108  }
0x21: {  	s3 =	sadd.s32 s3, s9;
	s6 =	sadd.s32 @!p0 $0x88, s6;
	s7 =	simm.s32 @p2 $0x1082  }
0x22: {  	[simem:s7], [sflag:s8] =	dma.local @!p0 [hbm:s6], $0xF7A  }
0x23: {  	s9 =	sor.u32 $0xD0000000, s2;
	s6 =	simm.s32 $0x108;
	_ =	swait.ge @!p0 [sflag:s8], $0x0  }
0x24: {  	s3 =	sadd.s32 $0x88, s3;
	s6 =	simm.s32 @!p1 $0x1082;
	[sflag:s4] =	ssyncset.s32 $0xFFFFF086  }
0x25: {  	[simem:s6], [sflag:s4] =	dma.local [hbm:s3], $0xF7A  }
0x26: {  	[smem:$0x3F9B] =	sst s1;
	(tag) =	ssettag s2;
	_ =	strace s9  }
0x27: {  	s1 =	sld [smem:$0x3FAB]  }
0x28: {  	s2 =	sld [smem:$0x3FAC]  }
0x29: {  	s4 =	sld [smem:$0x3FAE]  }
0x2a: {  	p0 =	seq.s32 s5, $0x0;
	s5 =	sld [smem:$0x3FAF]  }
0x2b: {  	s6 =	sld [smem:$0x3FB0]  }
0x2c: {  	s7 =	sld [smem:$0x3FB1]  }
0x2d: {  	s3 =	simm.s32 $0x108;
	s8 =	sld [smem:$0x3FB2]  }
0x2e: {  	s3 =	simm.s32 @!p0 $0x1082;
	s9 =	sld [smem:$0x3FB3]  }
0x2f: {  	lr =	sadd.s32 s0, s3;
	s0 =	sld [smem:$0x3FAA]  }
0x30: {  	s3 =	sld [smem:$0x3FAD]  }
0x31: {  	[smem:$0x3FB6] =	sst s10  }
0x32: {  	s10 =	sld [smem:$0x3FB4];
	_ =	sdelay $0x3  }
0x33: {  	p0 =	seq.s32 s10, $0x1;
	s10 =	sld [smem:$0x3FB6];
	_ =	sdelay $0x3  }
0x34: {  	[smem:$0x3FB6] =	sst s10  }
0x35: {  	s10 =	sld [smem:$0x3FB5];
	_ =	sdelay $0x3  }
0x36: {  	p1 =	seq.s32 s10, $0x1;
	s10 =	sld [smem:$0x3FB6];
	_ =	sdelay $0x3  }
0x37: {  	[smem:$0x3FB6] =	sst s10  }
0x38: {  	s10 =	sld [smem:$0x3FB7]  }
0x39: {  	_ = 	snop;
	(pc) =	sbr.ind lr, $3  }
0x3a: {  	_ = 	snop  }
0x3b: {  	_ = 	snop  }
0x3c: {  	p2 =	seq.s32 s10, $0x1;
	s10 =	sld [smem:$0x3FB6]  }
0x3d: {  	_ =	shalt  }
0x3e: {  	_ =	shalt  }
0x3f: {  	_ =	shalt  }
0x40: {  	_ =	shalt  }
0x41: {  	_ =	shalt  }
0x42: {  	_ =	shalt  }
0x43: {  	_ =	shalt  }
0x44: {  	_ =	shalt  }
0x45: {  	_ =	shalt  }
0x46: {  	_ =	shalt  }
0x47: {  	_ =	shalt  }
0x48: {  	_ =	shalt  }
0x49: {  	_ =	shalt  }
0x4a: {  	_ =	shalt  }
0x4b: {  	_ =	shalt  }
0x4c: {  	_ =	shalt  }
0x4d: {  	_ =	shalt  }
0x4e: {  	_ =	shalt  }
0x4f: {  	_ =	shalt  }
0x50: {  	_ =	shalt  }
0x51: {  	_ =	shalt  }
0x52: {  	_ =	shalt  }
0x53: {  	_ =	shalt  }
0x54: {  	_ =	shalt  }
0x55: {  	_ =	shalt  }
0x56: {  	_ =	shalt  }
0x57: {  	_ =	shalt  }
0x58: {  	_ =	shalt  }
0x59: {  	_ =	shalt  }
0x5a: {  	_ =	shalt  }
0x5b: {  	_ =	shalt  }
0x5c: {  	_ =	shalt  }
0x5d: {  	_ =	shalt  }
0x5e: {  	_ =	shalt  }
0x5f: {  	_ =	shalt  }
0x60: {  	_ =	shalt  }
0x61: {  	_ =	shalt  }
0x62: {  	_ =	shalt  }
0x63: {  	_ =	shalt  }
0x64: {  	_ =	shalt  }
0x65: {  	_ =	shalt  }
0x66: {  	_ =	shalt  }
0x67: {  	_ =	shalt  }
0x68: {  	_ =	shalt  }
0x69: {  	_ =	shalt  }
0x6a: {  	_ =	shalt  }
0x6b: {  	_ =	shalt  }
0x6c: {  	_ =	shalt  }
0x6d: {  	_ =	shalt  }
0x6e: {  	_ =	shalt  }
0x6f: {  	_ =	shalt  }
0x70: {  	_ =	shalt  }
0x71: {  	_ =	shalt  }
0x72: {  	_ =	shalt  }
0x73: {  	_ =	shalt  }
0x74: {  	_ =	shalt  }
0x75: {  	_ =	shalt  }
0x76: {  	_ =	shalt  }
0x77: {  	_ =	shalt  }
0x78: {  	_ =	shalt  }
0x79: {  	_ =	shalt  }
0x7a: {  	_ =	shalt  }
0x7b: {  	_ =	shalt  }
0x7c: {  	_ =	shalt  }
0x7d: {  	_ =	shalt  }
0x7e: {  	_ =	shalt  }
0x7f: {  	_ =	shalt  }
0x80: {  	_ =	shalt  }
0x81: {  	_ =	shalt  }
0x82: {  	_ =	shalt  }
0x83: {  	_ =	shalt  }
0x84: {  	_ =	shalt  }
0x85: {  	_ =	shalt  }
0x86: {  	_ =	shalt  }
0x87: {  	_ =	shalt  }
.Lfunc_end0:
.L_simem_size_0:
called_computation_lowered:
.L_overlay_start_0:
0x88: {  	s2 =	sld [smem:$0x3FD9]  }
0x89: {  	s3 =	sld [smem:$0x3FFE];
	_ =	sdelay $0x1  }
0x8a: {  	s1 =	srdreg.scid  }
0x8b: {  	s0 =	sand.u32 $0x1, s1  }
0x8c: {  	s14 =	sshll.u32 s0, $0xA;
	s2 =	sadd.s32 s3, s2  }
0x8d: {  	s2 =	sadd.s32 s2, s14  }
0x8e: {  	[smem:$0x3FC2] =	sst s2  }
0x8f: {  	_ = 	snop  }
0x90: {  	s2 =	sld [smem:$0x3FD0];
	_ =	sdelay $0x2  }
0x91: {  	s4 =	simm.s32 $0xA;
	s5 =	simm.s32 $0x10;
	s15 =	sld [smem:$0x3FC9]  }
0x92: {  	[smem:s5], [sflag:s4] =	dma.local [hbm:s2], $0x1  }
0x93: {  	_ =	swait.eq [sflag:s4], $0x1  }
0x94: {  	[sflag:s4] =	ssyncset.done $0x0  }
0x95: {  	[sflag:s4] =	ssyncadd.s32 $0xFFFFFFFF  }
0x96: {  	s16 =	sld [smem:$0x10];
	(tm) =	ssettm $0x1  }
0x97: {  	s17 =	sld [smem:$0x3FFB];
	_ =	sdelay $0x3  }
0x98: {  	_ =	strace s17  }
0x99: {  	s4 =	sld [smem:$0x3FFC];
	_ =	sdelay $0x3  }
0x9a: {  	_ =	strace s4  }
0x9b: {  	s4 =	sld [smem:$0x3FFD];
	_ =	sdelay $0x3  }
0x9c: {  	_ =	strace s4  }
0x9d: {  	_ =	strace $0x8FFFFFFF  }
0x9e: {  	s18 =	sld [smem:$0x3FDB];
	_ =	sdelay $0x1  }
0x9f: {  	s19 =	simm.s32 $_scs_section_size  }
0xa0: {  	s6 =	simm.s32 $_size__tile_overlayer_lowered;
	s7 =	simm.s32 $_tile_overlayer_lowered  }
0xa1: {  	s22 =	simm.s32 $0x1BFF;
	s21 =	sshll.u32 s7, $0x1;
	s4 =	sadd.s32 s19, s18  }
0xa2: {  	s8 =	simm.s32 $0x0;
	s20 =	sshll.u32 s6, $0x1;
	s6 =	sadd.s32 s21, s4  }
0xa3: {  	[timem:s8], [sflag:s22] =	dma.local [hbm:s6], s20  }
0xa4: {  	_ =	swait.ge [sflag:s22], s20  }
0xa5: {  	s5 =	ssub.s32 $0x0, s20;
	[sflag:s22] =	ssyncset.done $0x0  }
0xa6: {  	[sflag:s22] =	ssyncadd.s32 s5;
	_ =	sdelay $0x1  }
0xa7: {  	s23 =	simm.s32 $0x1B8B  }
0xa8: {  	_ =	swait.ge [sflag:s23], $0x1  }
0xa9: {  	[sflag:s23] =	ssyncset.done $0x0  }
0xaa: {  	s25 =	simm.s32 $0x1B8E;
	s24 =	sld [smem:$0x3FFE];
	[sflag:s23] =	ssyncadd.s32 $0xFFFFFFFF  }
0xab: {  	s26 =	simm.s32 $execute0_lowered;
	[smem:$0x3FD2] =	sst s25  }
0xac: {  	s6 =	sshll.u32 s26, $0x1;
	_ =	strace $0x80000046;
	[dreg:$0x1] =	wrdreg $0xFFFFFFFF  }
0xad: {  	s28 =	simm.s32 $_size_execute0_lowered;
	s4 =	sadd.s32 s4, s6;
	[dreg:$0x0] =	wrdreg $0x0  }
0xae: {  	s6 =	sshll.u32 s28, $0x1;
	[dreg:$0x2] =	wrdreg s4  }
0xaf: {  	[dreg:$0x3] =	wrdreg s6  }
0xb0: {  	[dreg:$0x4] =	wrdreg $0xC0  }
0xb1: {  	_ =	task [dreg:s8], $0x5FFFF  }
0xb2: {  	[dreg:$0x1] =	wrdreg $0xFFFFFFFF  }
0xb3: {  	[dreg:$0x0] =	wrdreg $0x60  }
0xb4: {  	[dreg:$0x2] =	wrdreg s15  }
0xb5: {  	[dreg:$0x3] =	wrdreg s24  }
0xb6: {  	[dreg:$0x4] =	wrdreg s16  }
0xb7: {  	[dreg:$0x5] =	wrdreg $0x9  }
0xb8: {  	_ =	task.clear_ibuf [dreg:s8], $0x6FFFF;
	_ =	strace $0x90000046  }
0xb9: {  	s29 =	simm.s32 $0x9;
	_ =	strace $0x80000048  }
0xba: {  	_ =	swait.ge [sflag:s29], $0x1  }
0xbb: {  	[sflag:s29] =	ssyncadd.s32 $0xFFFFFFFF  }
0xbc: {  	_ =	strace $0x90000048  }
0xbd: {  	_ =	sfence  }
0xbe: {  	s30 =	sld [smem:$0x0];
	_ =	sdelay $0x2  }
0xbf: {  	s31 =	sshll.u32 s1, $0xD;
	s1 =	sshrl.u32 s1, $0x2  }
0xc0: {  	s3 =	sand.u32 $0x4000, s31;
	s1 =	sadd.s32 s1, s30  }
0xc1: {  	s0 =	sor.u32 s3, s0;
	s1 =	sshll.u32 s1, $0x11  }
0xc2: {  	s0 =	sor.u32 s1, s0  }
0xc3: {  	s0 =	sadd.s32 $0x8F2B, s0  }
0xc4: {  	[sflag:s0] =	ssyncadd.remote.s32 $0x1  }
0xc5: {  	_ =	sfence.sel $0xFFFF  }
0xc6: {  	[dreg:$0x0] =	wrdreg $0xFFFFFFFF;
	(pc) =	sbr.abs _section_cstart, $3  }
0xc7: {  	[dreg:$0x1] =	wrdreg $0xFFFFFFFF  }
0xc8: {  	_ =	task.clear_ibuf [dreg:s8], $0x2FFFF;
	_ =	strace $0x9FFFFFFF  }
0xc9: {  	(tm) =	ssettm $0x7FFFFFFF  }
tec
execute0_lowered:
.L_overlay_start_1:
0x0: {  	(tag) =	ssettag $0x1  }
0x1: {  	s1 =	rddreg [dreg:$0x0]  }
0x2: {  	s5 =	rddreg [dreg:$0x1];
	s2 =	srdreg.scid  }
0x3: {  	s3 =	rddreg [dreg:$0x2];
	s0 =	stileid.u32;
	s23 =	simm.s32 $0x880  }
0x4: {  	s24 =	simm.s32 $0x1080;
	s25 =	simm.s32 $0x1880;
	s8 =	simm.s32 $0xC080  }
0x5: {  	s26 =	simm.s32 $0x2080;
	s9 =	simm.s32 $0x3;
	s10 =	simm.s32 $0x1  }
0x6: {  	s12 =	simm.s32 $0x3080;
	s13 =	simm.s32 $0x3880;
	s14 =	simm.s32 $0x4080  }
0x7: {  	s15 =	simm.s32 $0x4880;
	s16 =	simm.s32 $0x5080;
	s17 =	simm.s32 $0x5880  }
0x8: {  	s18 =	simm.s32 $0x6080;
	s19 =	simm.s32 $0x6880;
	s28 =	simm.s32 $0xA880  }
0x9: {  	s4 =	sand.u32 $0x1, s2;
	[dreg:$0x4] =	wrdreg s3;
	s2 =	simm.s32 $0x0  }
0xa: {  	s29 =	simm.s32 $0xB080;
	s30 =	simm.s32 $0xB880;
	[smem:$0x7FF] =	sst s2  }
0xb: {  	s31 =	simm.s32 $0x2;
	_ =	strace $0x80000047;
	[dreg:$0x8] =	wrdreg s23  }
0xc: {  	s20 =	sshll.u32 s0, $0x7;
	s6 =	sshll.u32 s4, $0x6;
	[dreg:$0x9] =	wrdreg s24  }
0xd: {  	s4 =	ssub.s32 $0x2, s4;
	s3 =	sor.u32 s6, s20;
	[dreg:$0xa] =	wrdreg s25  }
0xe: {  	s21 =	sshrl.u32 s4, $0x1;
	[dreg:$0xb] =	wrdreg s26;
	s20 =	simm.s32 $0x7080  }
0xf: {  	s23 =	simm.s32 $0x8880;
	s24 =	simm.s32 $0x9080;
	s25 =	simm.s32 $0x9880  }
0x10: {  	s26 =	simm.s32 $0xA080;
	s6 =	sshrl.u32 s3, $0x3;
	s3 =	sshll.u32 s3, $0x4  }
0x11: {  	s7 =	sadd.s32 s6, s5;
	s6 =	smul.u32 $0x300, s6;
	s3 =	sadd.s32 s3, s5  }
0x12: {  	s7 =	sadd.s32 $0x9800, s7;
	s22 =	sadd.s32 $0x1800, s3;
	s3 =	sadd.s32 $0x9A00, s5  }
0x13: {  	[dreg:$0x5] =	wrdreg s7;
	s1 =	sadd.s32 s1, s6;
	s6 =	ssub.s32 s4, s21  }
0x14: {  	v2 =	vlaneseq.u32;
	[dreg:$0x7] =	wrdreg s22;
	s4 =	sadd.s32 $0x9B00, s5;
	s5 =	sadd.s32 $0x9C00, s5  }
0x15: {  	vm0 =	vmmov $0xffff;
	v1 =	vshrl.u32 v2, $0x3;
	s7 =	simm.s32 $0x80;
	s21 =	simm.s32 $0x7880;
	s22 =	simm.s32 $0x8080  }
0x16: {  	v0 =	vand.u32 $0x7, v2;
	v2 =	vor.u32 $0x8, v2;
	v1 =	vmul.u32 $0x8, v1;
	[dreg:$0x6] =	wrdreg s1;
	s6 =	smax.u32 s6, $0x1;
	s1 =	simm.s32 $0x40  }
.LBB2_1:
0x17: {  	s0 =	rddreg [dreg:$0x5]  }
0x18: {  	[tilespmem:s2], [sflag:$0x3] =	stream.linear.gather [hbm4b:s0+s2], $0x40, $0x38;
	[tilespmem:$0xE080] =	vst v63  }
0x19: {  	s11 =	rddreg [dreg:$0x6]  }
0x1a: {  	[tilespmem:s7], [sflag:$0x1] =	stream.linear.gather [hbm4b:s11+s2], $0xC000, $0x38;
	[tilespmem:$0xE080] =	vst v63  }
0x1b: {  	s0 =	rddreg [dreg:$0x7]  }
0x1c: {  	[tilespmem:s8], [sflag:$0x2] =	stream.linear.gather [hbm4b:s0+s2], $0x2000, $0x38;
	[tilespmem:$0xE080] =	vst v63  }
0x1d: {  	_ =	swait.ge [sflag:s9], $0x40  }
0x1e: {  	[sflag:s9] =	ssyncset.done $0x0  }
0x1f: {  	[sflag:s9] =	ssyncadd.s32 $0xFFFFFFC0  }
0x20: {  	_ =	swait.ge [sflag:s10], $0xC000  }
0x21: {  	[sflag:s10] =	ssyncset.done $0x0  }
0x22: {  	[sflag:s10] =	ssyncadd.s32 $0xFFFF4000  }
0x23: {  	v3 =	vld [tilespmem:$0x0];
	_ =	sdelay $0x4  }
0x24: {  	v4 =	vshrl.u32 v3, $0x3  }
0x25: {  	v4 =	vmul.u32 $0x30, v4  }
0x26: {  	v3 =	vand.u32 $0x7, v3  }
0x27: {  	v3 =	vor.u32 v3, v4  }
0x28: {  	v4 =	vperm.xlane v3, v0;
	_ =	sdelay $0x1  }
0x29: {  	v4 =	vadd.s32 v1, v4;
	_ =	sdelay $0x3  }
0x2a: {  	v3 =	vperm.xlane v3, v2  }
0x2b: {  	[hbm4b:s3+s2] =	stream.indirect_vreg.scatter [tilespmem:s7], [sflag:$0x1], $0x80, v4, vm0, $0xb8;
	[tilespmem:$0xE080] =	vst v63  }
0x2c: {  	s0 =	rddreg [dreg:$0x8];
	v3 =	vadd.s32 v1, v3  }
0x2d: {  	[hbm4b:s4+s2] =	stream.indirect_vreg.scatter [tilespmem:s0], [sflag:$0x1], $0x80, v4, vm0, $0xb8;
	[tilespmem:$0xE080] =	vst v63  }
0x2e: {  	s11 =	rddreg [dreg:$0x9]  }
0x2f: {  	[hbm4b:s5+s2] =	stream.indirect_vreg.scatter [tilespmem:s11], [sflag:$0x1], $0x80, v4, vm0, $0xb8;
	[tilespmem:$0xE080] =	vst v63  }
0x30: {  	s0 =	rddreg [dreg:$0xa]  }
0x31: {  	[hbm4b:s3+s2] =	stream.indirect_vreg.scatter [tilespmem:s0], [sflag:$0x1], $0x80, v3, vm0, $0xb8;
	[tilespmem:$0xE080] =	vst v63  }
0x32: {  	s11 =	rddreg [dreg:$0xb]  }
0x33: {  	[hbm4b:s4+s2] =	stream.indirect_vreg.scatter [tilespmem:s11], [sflag:$0x1], $0x80, v3, vm0, $0xb8;
	[tilespmem:$0xE080] =	vst v63  }
0x34: {  	s11 =	simm.s32 $0x2880  }
0x35: {  	[hbm4b:s5+s2] =	stream.indirect_vreg.scatter [tilespmem:s11], [sflag:$0x1], $0x80, v3, vm0, $0xb8;
	[tilespmem:$0xE080] =	vst v63  }
0x36: {  	v3 =	vld [tilespmem:$0x10];
	_ =	sdelay $0x4  }
0x37: {  	v61 =	vshrl.u32 v3, $0x3  }
0x38: {  	v4 =	vmul.u32 $0x30, v61  }
0x39: {  	v3 =	vand.u32 $0x7, v3  }
0x3a: {  	v3 =	vor.u32 v3, v4  }
0x3b: {  	v4 =	vperm.xlane v3, v0;
	_ =	sdelay $0x1  }
0x3c: {  	v4 =	vadd.s32 v1, v4;
	_ =	sdelay $0x3  }
0x3d: {  	v3 =	vperm.xlane v3, v2  }
0x3e: {  	[hbm4b:s3+s2] =	stream.indirect_vreg.scatter [tilespmem:s12], [sflag:$0x1], $0x80, v4, vm0, $0xb8;
	[tilespmem:$0xE080] =	vst v63  }
0x3f: {  	v3 =	vadd.s32 v1, v3  }
0x40: {  	[hbm4b:s4+s2] =	stream.indirect_vreg.scatter [tilespmem:s13], [sflag:$0x1], $0x80, v4, vm0, $0xb8;
	[tilespmem:$0xE080] =	vst v63  }
0x41: {  	_ = 	snop  }
0x42: {  	[hbm4b:s5+s2] =	stream.indirect_vreg.scatter [tilespmem:s14], [sflag:$0x1], $0x80, v4, vm0, $0xb8;
	[tilespmem:$0xE080] =	vst v63  }
0x43: {  	_ = 	snop  }
0x44: {  	[hbm4b:s3+s2] =	stream.indirect_vreg.scatter [tilespmem:s15], [sflag:$0x1], $0x80, v3, vm0, $0xb8;
	[tilespmem:$0xE080] =	vst v63  }
0x45: {  	_ = 	snop  }
0x46: {  	[hbm4b:s4+s2] =	stream.indirect_vreg.scatter [tilespmem:s16], [sflag:$0x1], $0x80, v3, vm0, $0xb8;
	[tilespmem:$0xE080] =	vst v63  }
0x47: {  	_ = 	snop  }
0x48: {  	[hbm4b:s5+s2] =	stream.indirect_vreg.scatter [tilespmem:s17], [sflag:$0x1], $0x80, v3, vm0, $0xb8;
	[tilespmem:$0xE080] =	vst v63  }
0x49: {  	v3 =	vld [tilespmem:$0x20];
	_ =	sdelay $0x4  }
0x4a: {  	v62 =	vshrl.u32 v3, $0x3  }
0x4b: {  	v4 =	vmul.u32 $0x30, v62  }
0x4c: {  	v3 =	vand.u32 $0x7, v3  }
0x4d: {  	v3 =	vor.u32 v3, v4  }
0x4e: {  	v4 =	vperm.xlane v3, v0;
	_ =	sdelay $0x1  }
0x4f: {  	v4 =	vadd.s32 v1, v4;
	_ =	sdelay $0x3  }
0x50: {  	v3 =	vperm.xlane v3, v2  }
0x51: {  	[hbm4b:s3+s2] =	stream.indirect_vreg.scatter [tilespmem:s18], [sflag:$0x1], $0x80, v4, vm0, $0xb8;
	[tilespmem:$0xE080] =	vst v63  }
0x52: {  	v3 =	vadd.s32 v1, v3  }
0x53: {  	[hbm4b:s4+s2] =	stream.indirect_vreg.scatter [tilespmem:s19], [sflag:$0x1], $0x80, v4, vm0, $0xb8;
	[tilespmem:$0xE080] =	vst v63  }
0x54: {  	_ = 	snop  }
0x55: {  	[hbm4b:s5+s2] =	stream.indirect_vreg.scatter [tilespmem:s20], [sflag:$0x1], $0x80, v4, vm0, $0xb8;
	[tilespmem:$0xE080] =	vst v63  }
0x56: {  	_ = 	snop  }
0x57: {  	[hbm4b:s3+s2] =	stream.indirect_vreg.scatter [tilespmem:s21], [sflag:$0x1], $0x80, v3, vm0, $0xb8;
	[tilespmem:$0xE080] =	vst v63  }
0x58: {  	_ = 	snop  }
0x59: {  	[hbm4b:s4+s2] =	stream.indirect_vreg.scatter [tilespmem:s22], [sflag:$0x1], $0x80, v3, vm0, $0xb8;
	[tilespmem:$0xE080] =	vst v63  }
0x5a: {  	_ = 	snop  }
0x5b: {  	[hbm4b:s5+s2] =	stream.indirect_vreg.scatter [tilespmem:s23], [sflag:$0x1], $0x80, v3, vm0, $0xb8;
	[tilespmem:$0xE080] =	vst v63  }
0x5c: {  	v3 =	vld [tilespmem:$0x30];
	_ =	sdelay $0x4  }
0x5d: {  	v63 =	vshrl.u32 v3, $0x3  }
0x5e: {  	v4 =	vmul.u32 $0x30, v63  }
0x5f: {  	v3 =	vand.u32 $0x7, v3  }
0x60: {  	v3 =	vor.u32 v3, v4  }
0x61: {  	v4 =	vperm.xlane v3, v0;
	_ =	sdelay $0x1  }
0x62: {  	v4 =	vadd.s32 v1, v4;
	_ =	sdelay $0x3  }
0x63: {  	v3 =	vperm.xlane v3, v2  }
0x64: {  	[hbm4b:s3+s2] =	stream.indirect_vreg.scatter [tilespmem:s24], [sflag:$0x1], $0x80, v4, vm0, $0xb8;
	[tilespmem:$0xE080] =	vst v63  }
0x65: {  	v3 =	vadd.s32 v1, v3  }
0x66: {  	[hbm4b:s4+s2] =	stream.indirect_vreg.scatter [tilespmem:s25], [sflag:$0x1], $0x80, v4, vm0, $0xb8;
	[tilespmem:$0xE080] =	vst v63  }
0x67: {  	_ = 	snop  }
0x68: {  	[hbm4b:s5+s2] =	stream.indirect_vreg.scatter [tilespmem:s26], [sflag:$0x1], $0x80, v4, vm0, $0xb8;
	[tilespmem:$0xE080] =	vst v63  }
0x69: {  	_ = 	snop  }
0x6a: {  	[hbm4b:s3+s2] =	stream.indirect_vreg.scatter [tilespmem:s28], [sflag:$0x1], $0x80, v3, vm0, $0xb8;
	[tilespmem:$0xE080] =	vst v63  }
0x6b: {  	_ = 	snop  }
0x6c: {  	[hbm4b:s4+s2] =	stream.indirect_vreg.scatter [tilespmem:s29], [sflag:$0x1], $0x80, v3, vm0, $0xb8;
	[tilespmem:$0xE080] =	vst v63  }
0x6d: {  	_ = 	snop  }
0x6e: {  	[hbm4b:s5+s2] =	stream.indirect_vreg.scatter [tilespmem:s30], [sflag:$0x1], $0x80, v3, vm0, $0xb8;
	[tilespmem:$0xE080] =	vst v63  }
0x6f: {  	_ =	swait.ge [sflag:s31], $0x2000  }
0x70: {  	[sflag:s31] =	ssyncset.done $0x0  }
0x71: {  	s11 =	rddreg [dreg:$0x4];
	[sflag:s31] =	ssyncadd.s32 $0xFFFFE000  }
0x72: {  	[hbm4b:s11+s1] =	stream.indirect.scatter [tilespmem:s8], [sflag:$0x2], $0x80, s2, s1, $0xb8;
	[tilespmem:$0xE080] =	vst v63  }
0x73: {  	p0 =	sne.s32 s6, $0x1;
	_ =	swait.ge [sflag:s10], $0xC000  }
.Ltmp0:
0x74: {  	[sflag:s10] =	ssyncset.done $0x0;
	(pc) =	sbr.rel @p0 .LBB2_1-.Ltmp0, $4  }
0x75: {  	[sflag:s10] =	ssyncadd.s32 $0xFFFF4000  }
0x76: {  	_ =	swait.ge [sflag:s31], $0x2000  }
0x77: {  	[sflag:s31] =	ssyncset.done $0x0  }
0x78: {  	s6 =	sadd.s32 $0xFFFFFFFF, s6;
	[sflag:s31] =	ssyncadd.s32 $0xFFFFE000  }
0x79: {  	_ =	sfence.sel $0x180000  }
0x7a: {  	[bflag:$0x0] =	sbarrier.arrive $0xFFFF  }
0x7b: {  	_ =	strace $0x90000047  }
0x7c: {  	s0 =	stileid.u32;
	[bflag:$0x2] =	sbarrier.arrive $0xFFFF  }
0x7d: {  	p0 =	sne.s32 s0, $0x0;
	s0 =	rddreg [dreg:$0x3]  }
0x7e: {  	s0 =	sadd.s32 @!p0 $0x100000, s0  }
0x7f: {  	[sflag:s0] =	ssyncadd.tile.s32 @!p0 $0x1;
	_ =	shalt  }
.Lfunc_end2:
_tile_overlayer_lowered:
.L_overlay_start_2:
0x80: {  	(tag) =	ssettag $0x2  }
0x81: {  	s0 =	rddreg [dreg:$0x0];
	s2 =	stileid.u32  }
0x82: {  	s1 =	rddreg [dreg:$0x1];
	p0 =	sne.s32 s2, $0x0  }
0x83: {  	s3 =	rddreg [dreg:$0x2];
	[bflag:$0x3] =	sbarrier.arrive $0xFFFF;
	s2 =	simm.s32 @!p0 $0x1C04  }
0x84: {  	[timem:s3], [sflag:s2] =	dma.local @!p0 [hbm:s0], s1  }
0x85: {  	s0 =	simm.s32 @!p0 $0x4  }
0x86: {  	_ =	swait.ge @!p0 [sflag:s0], s1  }
0x87: {  	s1 =	ssub.s32 @!p0 $0x0, s1;
	[sflag:s0] =	ssyncset.done @!p0 $0x0  }
0x88: {  	[sflag:s0] =	ssyncadd.s32 @!p0 s1  }
0x89: {  	[bflag:$0x3] =	sbarrier.arrive $0xFFFF  }
0x8a: {  	_ =	shalt  }

// kernel: kernel.9.cloned.1.call-start
scs
__scs_entry_jumppad:
0x0: {  	(pc) =	sbr.rel $0x88, $3  }
0x1: {  	(tag) =	ssettag $0x0;
	lr =	simm.s32 $0x1  }
0x2: {  	[smem:$0x3F9B] =	sst lr;
	_ =	strace $0xD0000000  }
0x3: {  	_ = 	snop  }
0x4: {  	_ = 	snop  }
0x5: {  	_ = 	snop  }
0x6: {  	_ = 	snop  }
0x7: {  	_ = 	snop  }
__scs_overlays_trampoline_lowered:
0x8: {  	[smem:$0x3FAA] =	sst s0  }
0x9: {  	[smem:$0x3FAB] =	sst s1  }
0xa: {  	[smem:$0x3FAC] =	sst s2  }
0xb: {  	[smem:$0x3FAD] =	sst s3  }
0xc: {  	[smem:$0x3FAE] =	sst s4  }
0xd: {  	[smem:$0x3FAF] =	sst s5  }
0xe: {  	[smem:$0x3FB0] =	sst s6  }
0xf: {  	[smem:$0x3FB1] =	sst s7  }
0x10: {  	[smem:$0x3FB2] =	sst s8  }
0x11: {  	[smem:$0x3FB3] =	sst s9;
	s0 =	simm.s32 @!p0 $0x0  }
0x12: {  	s1 =	sld [smem:$0x3F99];
	s0 =	simm.s32 @p0 $0x1  }
0x13: {  	[smem:$0x3FB4] =	sst s0;
	s0 =	simm.s32 @!p1 $0x0  }
0x14: {  	s2 =	sld [smem:$0x3F98];
	s0 =	simm.s32 @p1 $0x1  }
0x15: {  	[smem:$0x3FB5] =	sst s0;
	s0 =	simm.s32 @!p2 $0x0  }
0x16: {  	s3 =	sld [smem:$0x3FDB];
	s0 =	simm.s32 @p2 $0x1  }
0x17: {  	s4 =	simm.s32 $0x1BF5;
	[smem:$0x3FB7] =	sst s0  }
0x18: {  	s0 =	sld [smem:$0x3F9A];
	_ =	swait.ge [sflag:s4], $0x0  }
0x19: {  	s7 =	sld [smem:$0x3F9B]  }
0x1a: {  	s8 =	sadd.s32 $0xFFFFE003, lr  }
0x1b: {  	s9 =	sadd.s32 $0xFFFFFEF7, lr;
	s5 =	simm.s32 $0xFFFFFFFF;
	p2 =	slt.u32 s8, $0xFFFFF086  }
0x1c: {  	p1 =	slt.u32 s9, $0xF7A;
	s5 =	simm.s32 @!p2 $0x0  }
0x1d: {  	s5 =	simm.s32 @p1 $0x1;
	p0 =	seq.s32 s7, s2  }
0x1e: {  	s7 =	smul.u32 @!p0 $0xF7A, s2;
	p2 =	seq.s32 @!p0 s5, $0x0  }
0x1f: {  	s9 =	smul.u32 $0xF7A, s1;
	s8 =	simm.s32 @!p0 $0x1BF5;
	p2 =	por !p2, p0  }
0x20: {  	[sflag:s8] =	ssyncset.s32 @!p0 $0xFFFFF086;
	s6 =	sadd.s32 @!p0 s3, s7;
	s7 =	simm.s32 @!p0 $0x108  }
0x21: {  	s3 =	sadd.s32 s3, s9;
	s6 =	sadd.s32 @!p0 $0x88, s6;
	s7 =	simm.s32 @p2 $0x1082  }
0x22: {  	[simem:s7], [sflag:s8] =	dma.local @!p0 [hbm:s6], $0xF7A  }
0x23: {  	s9 =	sor.u32 $0xD0000000, s2;
	s6 =	simm.s32 $0x108;
	_ =	swait.ge @!p0 [sflag:s8], $0x0  }
0x24: {  	s3 =	sadd.s32 $0x88, s3;
	s6 =	simm.s32 @!p1 $0x1082;
	[sflag:s4] =	ssyncset.s32 $0xFFFFF086  }
0x25: {  	[simem:s6], [sflag:s4] =	dma.local [hbm:s3], $0xF7A  }
0x26: {  	[smem:$0x3F9B] =	sst s1;
	(tag) =	ssettag s2;
	_ =	strace s9  }
0x27: {  	s1 =	sld [smem:$0x3FAB]  }
0x28: {  	s2 =	sld [smem:$0x3FAC]  }
0x29: {  	s4 =	sld [smem:$0x3FAE]  }
0x2a: {  	p0 =	seq.s32 s5, $0x0;
	s5 =	sld [smem:$0x3FAF]  }
0x2b: {  	s6 =	sld [smem:$0x3FB0]  }
0x2c: {  	s7 =	sld [smem:$0x3FB1]  }
0x2d: {  	s3 =	simm.s32 $0x108;
	s8 =	sld [smem:$0x3FB2]  }
0x2e: {  	s3 =	simm.s32 @!p0 $0x1082;
	s9 =	sld [smem:$0x3FB3]  }
0x2f: {  	lr =	sadd.s32 s0, s3;
	s0 =	sld [smem:$0x3FAA]  }
0x30: {  	s3 =	sld [smem:$0x3FAD]  }
0x31: {  	[smem:$0x3FB6] =	sst s10  }
0x32: {  	s10 =	sld [smem:$0x3FB4];
	_ =	sdelay $0x3  }
0x33: {  	p0 =	seq.s32 s10, $0x1;
	s10 =	sld [smem:$0x3FB6];
	_ =	sdelay $0x3  }
0x34: {  	[smem:$0x3FB6] =	sst s10  }
0x35: {  	s10 =	sld [smem:$0x3FB5];
	_ =	sdelay $0x3  }
0x36: {  	p1 =	seq.s32 s10, $0x1;
	s10 =	sld [smem:$0x3FB6];
	_ =	sdelay $0x3  }
0x37: {  	[smem:$0x3FB6] =	sst s10  }
0x38: {  	s10 =	sld [smem:$0x3FB7]  }
0x39: {  	_ = 	snop;
	(pc) =	sbr.ind lr, $3  }
0x3a: {  	_ = 	snop  }
0x3b: {  	_ = 	snop  }
0x3c: {  	p2 =	seq.s32 s10, $0x1;
	s10 =	sld [smem:$0x3FB6]  }
0x3d: {  	_ =	shalt  }
0x3e: {  	_ =	shalt  }
0x3f: {  	_ =	shalt  }
0x40: {  	_ =	shalt  }
0x41: {  	_ =	shalt  }
0x42: {  	_ =	shalt  }
0x43: {  	_ =	shalt  }
0x44: {  	_ =	shalt  }
0x45: {  	_ =	shalt  }
0x46: {  	_ =	shalt  }
0x47: {  	_ =	shalt  }
0x48: {  	_ =	shalt  }
0x49: {  	_ =	shalt  }
0x4a: {  	_ =	shalt  }
0x4b: {  	_ =	shalt  }
0x4c: {  	_ =	shalt  }
0x4d: {  	_ =	shalt  }
0x4e: {  	_ =	shalt  }
0x4f: {  	_ =	shalt  }
0x50: {  	_ =	shalt  }
0x51: {  	_ =	shalt  }
0x52: {  	_ =	shalt  }
0x53: {  	_ =	shalt  }
0x54: {  	_ =	shalt  }
0x55: {  	_ =	shalt  }
0x56: {  	_ =	shalt  }
0x57: {  	_ =	shalt  }
0x58: {  	_ =	shalt  }
0x59: {  	_ =	shalt  }
0x5a: {  	_ =	shalt  }
0x5b: {  	_ =	shalt  }
0x5c: {  	_ =	shalt  }
0x5d: {  	_ =	shalt  }
0x5e: {  	_ =	shalt  }
0x5f: {  	_ =	shalt  }
0x60: {  	_ =	shalt  }
0x61: {  	_ =	shalt  }
0x62: {  	_ =	shalt  }
0x63: {  	_ =	shalt  }
0x64: {  	_ =	shalt  }
0x65: {  	_ =	shalt  }
0x66: {  	_ =	shalt  }
0x67: {  	_ =	shalt  }
0x68: {  	_ =	shalt  }
0x69: {  	_ =	shalt  }
0x6a: {  	_ =	shalt  }
0x6b: {  	_ =	shalt  }
0x6c: {  	_ =	shalt  }
0x6d: {  	_ =	shalt  }
0x6e: {  	_ =	shalt  }
0x6f: {  	_ =	shalt  }
0x70: {  	_ =	shalt  }
0x71: {  	_ =	shalt  }
0x72: {  	_ =	shalt  }
0x73: {  	_ =	shalt  }
0x74: {  	_ =	shalt  }
0x75: {  	_ =	shalt  }
0x76: {  	_ =	shalt  }
0x77: {  	_ =	shalt  }
0x78: {  	_ =	shalt  }
0x79: {  	_ =	shalt  }
0x7a: {  	_ =	shalt  }
0x7b: {  	_ =	shalt  }
0x7c: {  	_ =	shalt  }
0x7d: {  	_ =	shalt  }
0x7e: {  	_ =	shalt  }
0x7f: {  	_ =	shalt  }
0x80: {  	_ =	shalt  }
0x81: {  	_ =	shalt  }
0x82: {  	_ =	shalt  }
0x83: {  	_ =	shalt  }
0x84: {  	_ =	shalt  }
0x85: {  	_ =	shalt  }
0x86: {  	_ =	shalt  }
0x87: {  	_ =	shalt  }
.Lfunc_end0:
.L_simem_size_0:
called_computation.1_lowered:
.L_overlay_start_0:
0x88: {  	s2 =	sld [smem:$0x3FD9]  }
0x89: {  	s3 =	sld [smem:$0x3FFE];
	_ =	sdelay $0x1  }
0x8a: {  	s1 =	srdreg.scid  }
0x8b: {  	s0 =	sand.u32 $0x1, s1  }
0x8c: {  	s14 =	sshll.u32 s0, $0xA;
	s2 =	sadd.s32 s3, s2  }
0x8d: {  	s2 =	sadd.s32 s2, s14  }
0x8e: {  	[smem:$0x3FC2] =	sst s2  }
0x8f: {  	_ = 	snop  }
0x90: {  	s2 =	sld [smem:$0x3FD0];
	_ =	sdelay $0x2  }
0x91: {  	s15 =	simm.s32 $0xA;
	s4 =	simm.s32 $0x10  }
0x92: {  	[smem:s4], [sflag:s15] =	dma.local [hbm:s2], $0x1  }
0x93: {  	_ =	swait.eq [sflag:s15], $0x1  }
0x94: {  	[sflag:s15] =	ssyncset.done $0x0  }
0x95: {  	[sflag:s15] =	ssyncadd.s32 $0xFFFFFFFF  }
0x96: {  	s16 =	sld [smem:$0x10];
	(tm) =	ssettm $0x1  }
0x97: {  	s17 =	sld [smem:$0x3FFB];
	_ =	sdelay $0x3  }
0x98: {  	_ =	strace s17  }
0x99: {  	s3 =	sld [smem:$0x3FFC];
	_ =	sdelay $0x3  }
0x9a: {  	_ =	strace s3  }
0x9b: {  	s3 =	sld [smem:$0x3FFD];
	_ =	sdelay $0x3  }
0x9c: {  	_ =	strace s3  }
0x9d: {  	_ =	strace $0x8FFFFFFF  }
0x9e: {  	s18 =	sld [smem:$0x3FDB];
	_ =	sdelay $0x1  }
0x9f: {  	s19 =	simm.s32 $_scs_section_size  }
0xa0: {  	s5 =	simm.s32 $_size__tile_overlayer_lowered;
	s6 =	simm.s32 $_tile_overlayer_lowered  }
0xa1: {  	s22 =	simm.s32 $0x1BFF;
	s21 =	sshll.u32 s6, $0x1;
	s3 =	sadd.s32 s19, s18  }
0xa2: {  	s7 =	simm.s32 $0x0;
	s20 =	sshll.u32 s5, $0x1;
	s5 =	sadd.s32 s21, s3  }
0xa3: {  	[timem:s7], [sflag:s22] =	dma.local [hbm:s5], s20  }
0xa4: {  	_ =	swait.ge [sflag:s22], s20  }
0xa5: {  	s4 =	ssub.s32 $0x0, s20;
	[sflag:s22] =	ssyncset.done $0x0  }
0xa6: {  	[sflag:s22] =	ssyncadd.s32 s4;
	_ =	sdelay $0x1  }
0xa7: {  	s23 =	simm.s32 $0x1B8B  }
0xa8: {  	_ =	swait.ge [sflag:s23], $0x1  }
0xa9: {  	[sflag:s23] =	ssyncset.done $0x0  }
0xaa: {  	s25 =	simm.s32 $0x1B8E;
	s24 =	sld [smem:$0x3FFE];
	[sflag:s23] =	ssyncadd.s32 $0xFFFFFFFF  }
0xab: {  	s26 =	simm.s32 $execute0_lowered;
	[smem:$0x3FD2] =	sst s25  }
0xac: {  	s5 =	sshll.u32 s26, $0x1;
	_ =	strace $0x80000049;
	[dreg:$0x1] =	wrdreg $0xFFFFFFFF  }
0xad: {  	s28 =	simm.s32 $_size_execute0_lowered;
	s3 =	sadd.s32 s3, s5;
	[dreg:$0x0] =	wrdreg $0x0  }
0xae: {  	s5 =	sshll.u32 s28, $0x1;
	[dreg:$0x2] =	wrdreg s3  }
0xaf: {  	[dreg:$0x3] =	wrdreg s5  }
0xb0: {  	[dreg:$0x4] =	wrdreg $0xC0  }
0xb1: {  	_ =	task [dreg:s7], $0x5FFFF  }
0xb2: {  	[dreg:$0x1] =	wrdreg $0xFFFFFFFF  }
0xb3: {  	[dreg:$0x0] =	wrdreg $0x60  }
0xb4: {  	[dreg:$0x2] =	wrdreg s24  }
0xb5: {  	[dreg:$0x3] =	wrdreg s16  }
0xb6: {  	[dreg:$0x4] =	wrdreg $0x9  }
0xb7: {  	_ =	task.clear_ibuf [dreg:s7], $0x5FFFF;
	_ =	strace $0x90000049  }
0xb8: {  	s29 =	simm.s32 $0x9;
	_ =	strace $0x8000004B  }
0xb9: {  	_ =	swait.ge [sflag:s29], $0x1  }
0xba: {  	[sflag:s29] =	ssyncadd.s32 $0xFFFFFFFF  }
0xbb: {  	_ =	strace $0x9000004B  }
0xbc: {  	_ =	sfence  }
0xbd: {  	s30 =	sld [smem:$0x0];
	_ =	sdelay $0x2  }
0xbe: {  	s31 =	sshll.u32 s1, $0xD;
	s1 =	sshrl.u32 s1, $0x2  }
0xbf: {  	s3 =	sand.u32 $0x4000, s31;
	s1 =	sadd.s32 s1, s30  }
0xc0: {  	s0 =	sor.u32 s3, s0;
	s1 =	sshll.u32 s1, $0x11  }
0xc1: {  	s0 =	sor.u32 s1, s0  }
0xc2: {  	s0 =	sadd.s32 $0x8F2B, s0  }
0xc3: {  	[sflag:s0] =	ssyncadd.remote.s32 $0x1  }
0xc4: {  	_ =	sfence.sel $0xFFFF  }
0xc5: {  	[dreg:$0x0] =	wrdreg $0xFFFFFFFF;
	(pc) =	sbr.abs _section_cstart, $3  }
0xc6: {  	[dreg:$0x1] =	wrdreg $0xFFFFFFFF  }
0xc7: {  	_ =	task.clear_ibuf [dreg:s7], $0x2FFFF;
	_ =	strace $0x9FFFFFFF  }
0xc8: {  	(tm) =	ssettm $0x7FFFFFFF  }
0xc9: {  	_ =	shalt  }
tec
execute0_lowered:
.L_overlay_start_1:
0x0: {  	(tag) =	ssettag $0x1  }
0x1: {  	s0 =	rddreg [dreg:$0x0]  }
0x2: {  	s5 =	rddreg [dreg:$0x1];
	s3 =	srdreg.scid  }
0x3: {  	s2 =	simm.s32 $0x0;
	s1 =	stileid.u32;
	s26 =	simm.s32 $0x880  }
0x4: {  	s10 =	simm.s32 $0x1880;
	s11 =	simm.s32 $0x2080;
	s12 =	simm.s32 $0x2880  }
0x5: {  	s13 =	simm.s32 $0x3080;
	s14 =	simm.s32 $0x3880;
	s15 =	simm.s32 $0x4080  }
0x6: {  	s16 =	simm.s32 $0x4880;
	s17 =	simm.s32 $0x5080;
	s18 =	simm.s32 $0x5880  }
0x7: {  	s19 =	simm.s32 $0x6080;
	s20 =	simm.s32 $0x6880;
	s21 =	simm.s32 $0x7080  }
0x8: {  	s22 =	simm.s32 $0x7880;
	s28 =	simm.s32 $0xA080;
	s29 =	simm.s32 $0xA880  }
0x9: {  	s30 =	simm.s32 $0xB080;
	s31 =	simm.s32 $0xB880;
	s3 =	sand.u32 $0x1, s3  }
0xa: {  	[smem:$0x7FF] =	sst s2;
	s4 =	sshll.u32 s1, $0x4;
	s6 =	sshll.u32 s3, $0x3  }
0xb: {  	_ =	strace $0x8000004A;
	s23 =	ssub.s32 $0x2, s3;
	s3 =	sadd.s32 $0x9A00, s0  }
0xc: {  	[dreg:$0x5] =	wrdreg s26;
	s26 =	simm.s32 $0x9880;
	s4 =	sor.u32 s6, s4  }
0xd: {  	s8 =	sshrl.u32 s23, $0x1;
	s7 =	sadd.s32 s4, s0;
	s9 =	smul.u32 $0x300, s4  }
0xe: {  	s6 =	ssub.s32 s23, s8;
	s4 =	sadd.s32 $0x9B00, s0;
	s8 =	simm.s32 $0x80  }
0xf: {  	s23 =	simm.s32 $0x8080;
	s24 =	sadd.s32 $0x9800, s7;
	s6 =	smax.u32 s6, $0x1  }
0x10: {  	v2 =	vlaneseq.u32;
	s7 =	simm.s32 $0x2;
	[dreg:$0x3] =	wrdreg s24;
	s25 =	sadd.s32 s5, s9  }
0x11: {  	vm0 =	vmmov $0xffff;
	v1 =	vshrl.u32 v2, $0x3;
	s5 =	sadd.s32 $0x9C00, s0;
	s9 =	simm.s32 $0x1080;
	s24 =	simm.s32 $0x8880  }
0x12: {  	v0 =	vand.u32 $0x7, v2;
	v2 =	vor.u32 $0x8, v2;
	v1 =	vmul.u32 $0x8, v1;
	s0 =	simm.s32 $0x1;
	[dreg:$0x4] =	wrdreg s25;
	s25 =	simm.s32 $0x9080  }
.LBB2_1:
0x13: {  	s1 =	rddreg [dreg:$0x3]  }
0x14: {  	[tilespmem:s2], [sflag:$0x2] =	stream.linear.gather [hbm4b:s1+s2], $0x40, $0x38;
	[tilespmem:$0xC080] =	vst v63  }
0x15: {  	_ =	swait.ge [sflag:s7], $0x40  }
0x16: {  	[sflag:s7] =	ssyncset.done $0x0  }
0x17: {  	[sflag:s7] =	ssyncadd.s32 $0xFFFFFFC0  }
0x18: {  	v3 =	vld [tilespmem:$0x0];
	_ =	sdelay $0x4  }
0x19: {  	v4 =	vshrl.u32 v3, $0x3  }
0x1a: {  	v4 =	vmul.u32 $0x30, v4  }
0x1b: {  	v3 =	vand.u32 $0x7, v3  }
0x1c: {  	v3 =	vor.u32 v3, v4  }
0x1d: {  	v4 =	vperm.xlane v3, v0;
	_ =	sdelay $0x1  }
0x1e: {  	v4 =	vadd.s32 v1, v4;
	_ =	sdelay $0x3  }
0x1f: {  	v3 =	vperm.xlane v3, v2  }
0x20: {  	[tilespmem:s8], [sflag:$0x1] =	stream.indirect_vreg.gather [hbm4b:s3+s2], $0x80, v4, vm0, $0xb8;
	[tilespmem:$0xC080] =	vst v63  }
0x21: {  	s1 =	rddreg [dreg:$0x5];
	v3 =	vadd.s32 v1, v3  }
0x22: {  	[tilespmem:s1], [sflag:$0x1] =	stream.indirect_vreg.gather [hbm4b:s4+s2], $0x80, v4, vm0, $0xb8;
	[tilespmem:$0xC080] =	vst v63  }
0x23: {  	_ = 	snop  }
0x24: {  	[tilespmem:s9], [sflag:$0x1] =	stream.indirect_vreg.gather [hbm4b:s5+s2], $0x80, v4, vm0, $0xb8;
	[tilespmem:$0xC080] =	vst v63  }
0x25: {  	_ = 	snop  }
0x26: {  	[tilespmem:s10], [sflag:$0x1] =	stream.indirect_vreg.gather [hbm4b:s3+s2], $0x80, v3, vm0, $0xb8;
	[tilespmem:$0xC080] =	vst v63  }
0x27: {  	_ = 	snop  }
0x28: {  	[tilespmem:s11], [sflag:$0x1] =	stream.indirect_vreg.gather [hbm4b:s4+s2], $0x80, v3, vm0, $0xb8;
	[tilespmem:$0xC080] =	vst v63  }
0x29: {  	_ = 	snop  }
0x2a: {  	[tilespmem:s12], [sflag:$0x1] =	stream.indirect_vreg.gather [hbm4b:s5+s2], $0x80, v3, vm0, $0xb8;
	[tilespmem:$0xC080] =	vst v63  }
0x2b: {  	v3 =	vld [tilespmem:$0x10];
	_ =	sdelay $0x4  }
0x2c: {  	v61 =	vshrl.u32 v3, $0x3  }
0x2d: {  	v4 =	vmul.u32 $0x30, v61  }
0x2e: {  	v3 =	vand.u32 $0x7, v3  }
0x2f: {  	v3 =	vor.u32 v3, v4  }
0x30: {  	v4 =	vperm.xlane v3, v0;
	_ =	sdelay $0x1  }
0x31: {  	v4 =	vadd.s32 v1, v4;
	_ =	sdelay $0x3  }
0x32: {  	v3 =	vperm.xlane v3, v2  }
0x33: {  	[tilespmem:s13], [sflag:$0x1] =	stream.indirect_vreg.gather [hbm4b:s3+s2], $0x80, v4, vm0, $0xb8;
	[tilespmem:$0xC080] =	vst v63  }
0x34: {  	v3 =	vadd.s32 v1, v3  }
0x35: {  	[tilespmem:s14], [sflag:$0x1] =	stream.indirect_vreg.gather [hbm4b:s4+s2], $0x80, v4, vm0, $0xb8;
	[tilespmem:$0xC080] =	vst v63  }
0x36: {  	_ = 	snop  }
0x37: {  	[tilespmem:s15], [sflag:$0x1] =	stream.indirect_vreg.gather [hbm4b:s5+s2], $0x80, v4, vm0, $0xb8;
	[tilespmem:$0xC080] =	vst v63  }
0x38: {  	_ = 	snop  }
0x39: {  	[tilespmem:s16], [sflag:$0x1] =	stream.indirect_vreg.gather [hbm4b:s3+s2], $0x80, v3, vm0, $0xb8;
	[tilespmem:$0xC080] =	vst v63  }
0x3a: {  	_ = 	snop  }
0x3b: {  	[tilespmem:s17], [sflag:$0x1] =	stream.indirect_vreg.gather [hbm4b:s4+s2], $0x80, v3, vm0, $0xb8;
	[tilespmem:$0xC080] =	vst v63  }
0x3c: {  	_ = 	snop  }
0x3d: {  	[tilespmem:s18], [sflag:$0x1] =	stream.indirect_vreg.gather [hbm4b:s5+s2], $0x80, v3, vm0, $0xb8;
	[tilespmem:$0xC080] =	vst v63  }
0x3e: {  	v3 =	vld [tilespmem:$0x20];
	_ =	sdelay $0x4  }
0x3f: {  	v62 =	vshrl.u32 v3, $0x3  }
0x40: {  	v4 =	vmul.u32 $0x30, v62  }
0x41: {  	v3 =	vand.u32 $0x7, v3  }
0x42: {  	v3 =	vor.u32 v3, v4  }
0x43: {  	v4 =	vperm.xlane v3, v0;
	_ =	sdelay $0x1  }
0x44: {  	v4 =	vadd.s32 v1, v4;
	_ =	sdelay $0x3  }
0x45: {  	v3 =	vperm.xlane v3, v2  }
0x46: {  	[tilespmem:s19], [sflag:$0x1] =	stream.indirect_vreg.gather [hbm4b:s3+s2], $0x80, v4, vm0, $0xb8;
	[tilespmem:$0xC080] =	vst v63  }
0x47: {  	v3 =	vadd.s32 v1, v3  }
0x48: {  	[tilespmem:s20], [sflag:$0x1] =	stream.indirect_vreg.gather [hbm4b:s4+s2], $0x80, v4, vm0, $0xb8;
	[tilespmem:$0xC080] =	vst v63  }
0x49: {  	_ = 	snop  }
0x4a: {  	[tilespmem:s21], [sflag:$0x1] =	stream.indirect_vreg.gather [hbm4b:s5+s2], $0x80, v4, vm0, $0xb8;
	[tilespmem:$0xC080] =	vst v63  }
0x4b: {  	_ = 	snop  }
0x4c: {  	[tilespmem:s22], [sflag:$0x1] =	stream.indirect_vreg.gather [hbm4b:s3+s2], $0x80, v3, vm0, $0xb8;
	[tilespmem:$0xC080] =	vst v63  }
0x4d: {  	_ = 	snop  }
0x4e: {  	[tilespmem:s23], [sflag:$0x1] =	stream.indirect_vreg.gather [hbm4b:s4+s2], $0x80, v3, vm0, $0xb8;
	[tilespmem:$0xC080] =	vst v63  }
0x4f: {  	_ = 	snop  }
0x50: {  	[tilespmem:s24], [sflag:$0x1] =	stream.indirect_vreg.gather [hbm4b:s5+s2], $0x80, v3, vm0, $0xb8;
	[tilespmem:$0xC080] =	vst v63  }
0x51: {  	v3 =	vld [tilespmem:$0x30];
	_ =	sdelay $0x4  }
0x52: {  	v63 =	vshrl.u32 v3, $0x3  }
0x53: {  	v4 =	vmul.u32 $0x30, v63  }
0x54: {  	v3 =	vand.u32 $0x7, v3  }
0x55: {  	v3 =	vor.u32 v3, v4  }
0x56: {  	v4 =	vperm.xlane v3, v0;
	_ =	sdelay $0x1  }
0x57: {  	v4 =	vadd.s32 v1, v4;
	_ =	sdelay $0x3  }
0x58: {  	v3 =	vperm.xlane v3, v2  }
0x59: {  	[tilespmem:s25], [sflag:$0x1] =	stream.indirect_vreg.gather [hbm4b:s3+s2], $0x80, v4, vm0, $0xb8;
	[tilespmem:$0xC080] =	vst v63  }
0x5a: {  	v3 =	vadd.s32 v1, v3  }
0x5b: {  	[tilespmem:s26], [sflag:$0x1] =	stream.indirect_vreg.gather [hbm4b:s4+s2], $0x80, v4, vm0, $0xb8;
	[tilespmem:$0xC080] =	vst v63  }
0x5c: {  	_ = 	snop  }
0x5d: {  	[tilespmem:s28], [sflag:$0x1] =	stream.indirect_vreg.gather [hbm4b:s5+s2], $0x80, v4, vm0, $0xb8;
	[tilespmem:$0xC080] =	vst v63  }
0x5e: {  	_ = 	snop  }
0x5f: {  	[tilespmem:s29], [sflag:$0x1] =	stream.indirect_vreg.gather [hbm4b:s3+s2], $0x80, v3, vm0, $0xb8;
	[tilespmem:$0xC080] =	vst v63  }
0x60: {  	_ = 	snop  }
0x61: {  	[tilespmem:s30], [sflag:$0x1] =	stream.indirect_vreg.gather [hbm4b:s4+s2], $0x80, v3, vm0, $0xb8;
	[tilespmem:$0xC080] =	vst v63  }
0x62: {  	_ = 	snop  }
0x63: {  	[tilespmem:s31], [sflag:$0x1] =	stream.indirect_vreg.gather [hbm4b:s5+s2], $0x80, v3, vm0, $0xb8;
	[tilespmem:$0xC080] =	vst v63  }
0x64: {  	_ =	swait.ge [sflag:s0], $0xC000  }
0x65: {  	p0 =	sne.s32 s6, $0x1;
	[sflag:s0] =	ssyncset.done $0x0  }
.Ltmp0:
0x66: {  	s1 =	rddreg [dreg:$0x4];
	[sflag:s0] =	ssyncadd.s32 $0xFFFF4000;
	(pc) =	sbr.rel @p0 .LBB2_1-.Ltmp0, $4  }
0x67: {  	[hbm4b:s1+s2] =	stream.linear.scatter [tilespmem:s8], [sflag:$0x2], $0xC000, $0x38;
	[tilespmem:$0xC080] =	vst v63  }
0x68: {  	_ =	swait.ge [sflag:s7], $0xC000  }
0x69: {  	[sflag:s7] =	ssyncset.done $0x0  }
0x6a: {  	s6 =	sadd.s32 $0xFFFFFFFF, s6;
	[sflag:s7] =	ssyncadd.s32 $0xFFFF4000  }
0x6b: {  	_ =	sfence.sel $0x180000  }
0x6c: {  	[bflag:$0x0] =	sbarrier.arrive $0xFFFF  }
0x6d: {  	_ =	strace $0x9000004A  }
0x6e: {  	s0 =	stileid.u32;
	[bflag:$0x2] =	sbarrier.arrive $0xFFFF  }
0x6f: {  	p0 =	sne.s32 s0, $0x0;
	s0 =	rddreg [dreg:$0x2]  }
0x70: {  	s0 =	sadd.s32 @!p0 $0x100000, s0  }
0x71: {  	[sflag:s0] =	ssyncadd.tile.s32 @!p0 $0x1;
	_ =	shalt  }
.Lfunc_end2:
_tile_overlayer_lowered:
.L_overlay_start_2:
0x72: {  	(tag) =	ssettag $0x2  }
0x73: {  	s0 =	rddreg [dreg:$0x0];
	s2 =	stileid.u32  }
0x74: {  	s1 =	rddreg [dreg:$0x1];
	p0 =	sne.s32 s2, $0x0  }
0x75: {  	s3 =	rddreg [dreg:$0x2];
	[bflag:$0x3] =	sbarrier.arrive $0xFFFF;
	s2 =	simm.s32 @!p0 $0x1C02  }
0x76: {  	[timem:s3], [sflag:s2] =	dma.local @!p0 [hbm:s0], s1  }
0x77: {  	s0 =	simm.s32 @!p0 $0x2  }
0x78: {  	_ =	swait.ge @!p0 [sflag:s0], s1  }
0x79: {  	s1 =	ssub.s32 @!p0 $0x0, s1;
	[sflag:s0] =	ssyncset.done @!p0 $0x0  }
0x7a: {  	[sflag:s0] =	ssyncadd.s32 @!p0 s1  }
0x7b: {  	[bflag:$0x3] =	sbarrier.arrive $0xFFFF  }
0x7c: {  	_ =	shalt  }

</sc_bundles>
